<compile_context>
chip_gen: v7x
topology: tpu7x:2x2x1
jax: 0.10.2.dev20260603
libtpu: 0.0.44.dev20260713+nightly
codegen_flags: <defaults>
</compile_context>

<pallas_src>
import functools

import jax
import jax.numpy as jnp
from jax import lax
from jax.experimental import pallas as pl
from jax.experimental.pallas import tpu as pltpu
from jax.experimental.pallas import tpu_sc as plsc

_ROWS = 16384
_D = 2048
_SC_ROWS = 512
_TC_ROWS = _ROWS - _SC_ROWS
_TC_BLOCK = 512

_NW = 32
_W_ROWS = _SC_ROWS // _NW
_CH_ROWS = 8
_N_CH = _W_ROWS // _CH_ROWS


def _tc_add_kernel(ts_ref, text_ref, out_ref):
    out_ref[...] = ts_ref[...] + text_ref[...]


def _tc_add(x2, y2):
    return pl.pallas_call(
        _tc_add_kernel,
        grid=(_TC_ROWS // _TC_BLOCK,),
        in_specs=[
            pl.BlockSpec((_TC_BLOCK, _D), lambda i: (i, 0)),
            pl.BlockSpec((_TC_BLOCK, _D), lambda i: (i, 0)),
        ],
        out_specs=pl.BlockSpec((_TC_BLOCK, _D), lambda i: (i, 0)),
        out_shape=jax.ShapeDtypeStruct((_ROWS, _D), x2.dtype),
    )(x2, y2)


@functools.partial(
    pl.kernel,
    mesh=plsc.VectorSubcoreMesh(core_axis_name="c", subcore_axis_name="s"),
    out_type=jax.ShapeDtypeStruct((_SC_ROWS, _D), jnp.float32),
    scratch_types=[
        pltpu.VMEM((_CH_ROWS, _D), jnp.float32),
        pltpu.VMEM((_CH_ROWS, _D), jnp.float32),
    ],
)
def _sc_add(ts_hbm, text_hbm, out_hbm, a_v, b_v):
    wid = lax.axis_index("s") * 2 + lax.axis_index("c")
    base = _TC_ROWS + wid * _W_ROWS

    def chunk_body(ci, carry):
        row = base + ci * _CH_ROWS
        pltpu.sync_copy(ts_hbm.at[pl.ds(row, _CH_ROWS)], a_v)
        pltpu.sync_copy(text_hbm.at[pl.ds(row, _CH_ROWS)], b_v)

        def add_body(i, c2):
            for u in range(8):
                c = (i * 8 + u) * 16
                for r in range(_CH_ROWS):
                    a_v[r, pl.ds(c, 16)] = a_v[r, pl.ds(c, 16)] + b_v[r, pl.ds(c, 16)]
            return c2

        lax.fori_loop(0, _D // (16 * 8), add_body, 0)
        out_row = wid * _W_ROWS + ci * _CH_ROWS
        pltpu.sync_copy(a_v, out_hbm.at[pl.ds(out_row, _CH_ROWS)])
        return carry

    lax.fori_loop(0, _N_CH, chunk_body, 0)


def _merge_kernel(dst_ref, src_ref, out_ref):
    del dst_ref
    out_ref[...] = src_ref[...]


def _merge(tc_out, sc_out):
    tc_blocks = _TC_ROWS // _TC_BLOCK
    return pl.pallas_call(
        _merge_kernel,
        grid=(_SC_ROWS // _TC_BLOCK,),
        in_specs=[
            pl.BlockSpec((8, 128), lambda i: (0, 0)),
            pl.BlockSpec((_TC_BLOCK, _D), lambda i: (i, 0)),
        ],
        out_specs=pl.BlockSpec((_TC_BLOCK, _D), lambda i: (i + tc_blocks, 0)),
        out_shape=jax.ShapeDtypeStruct((_ROWS, _D), tc_out.dtype),
        input_output_aliases={0: 0},
    )(tc_out, sc_out)


def kernel(ts, text, batch_idx):
    b, s, d = ts.shape
    x2 = ts.reshape(b * s, d)
    y2 = text.reshape(b * s, d)

    tc_out = _tc_add(x2, y2)
    sc_out = _sc_add(x2, y2)

    out = _merge(tc_out, sc_out)
    aux_loss = jnp.zeros((), dtype=jnp.float32)
    return (out.reshape(b, s, d), aux_loss)

# --- scband reference (transcript-rebuilt; emitter-appended) ---
"""Pipeline reference for scband-mixer-layer-43035572305968 (READ-ONLY COPY).

The authoritative reference and input builder live on the scoring server;
editing this copy changes nothing except your own understanding.
"""

import jax, jax.numpy as jnp
import numpy as np

def setup_inputs(seed: int = 0) -> dict:
    key = jax.random.key(seed)
    k1, k2 = jax.random.split(key)
    ts = jax.random.normal(k1, (4, 4096, 2048), dtype=jnp.float32)
    text = jax.random.normal(k2, (4, 4096, 2048), dtype=jnp.float32)
    return {"ts": ts, "text": text, "batch_idx": 0}

def reference(ts, text, batch_idx):
    # MixerLayer with configs.mix_type == 0: x = ts + text, aux_loss = 0
    x = ts + text
    aux_loss = jnp.array(0.0, dtype=jnp.float32)
    return (x, aux_loss)

if __name__ == "__main__":
    import jax
    _d = setup_inputs()
    print(jax.jit(kernel)(*tuple(_d.values())))

</pallas_src>

<mosaic_0001>
#map = affine_map<(d0, d1) -> (0, 0)>
module attributes {stable_mosaic.version = 14 : i64} {
  func.func @_sc_add(%arg0: i32, %arg1: i32, %arg2: memref<16384x2048xf32, #tpu.memory_space<hbm>>, %arg3: memref<16384x2048xf32, #tpu.memory_space<hbm>>, %arg4: memref<512x2048xf32, #tpu.memory_space<hbm>>, %arg5: memref<8x2048xf32, #tpu.memory_space<vmem>>, %arg6: memref<8x2048xf32, #tpu.memory_space<vmem>>) attributes {dimension_semantics = [#tpu.dimension_semantics<core_parallel>, #tpu.dimension_semantics<subcore_parallel>], iteration_bounds = array<i64: 2, 16>, scalar_prefetch = 0 : i64, scratch_operands = 2 : i64, tpu.core_type = #tpu.core_type<sc_vector_subcore>, window_params = [{transform_indices = #map}, {transform_indices = #map}, {transform_indices = #map}]} {
    %mul3A = arith.constant 2 : i32
    %mul3A_0 = arith.muli %arg1, %mul3A : i32
    %add3A = arith.addi %mul3A_0, %arg0 : i32
    %mul3A_1 = arith.constant 16 : i32
    %mul3A_2 = arith.muli %add3A, %mul3A_1 : i32
    %add3A_3 = arith.constant 15872 : i32
    %add3A_4 = arith.addi %add3A_3, %mul3A_2 : i32
    %scan3A = arith.constant 0 : i32
    %scan3A_5 = arith.constant 0 : i32
    %scan3A_6 = arith.constant 2 : i32
    %scan3A_7 = arith.addi %scan3A_5, %scan3A_6 : i32
    %scan3A_8 = arith.constant 1 : i32
    scf.for %scan3A_10 = %scan3A_5 to %scan3A_7 step %scan3A_8  : i32 {
      %mul3A_11 = arith.constant 8 : i32
      %mul3A_12 = arith.muli %scan3A_10, %mul3A_11 : i32
      %add3A_13 = arith.addi %add3A_4, %mul3A_12 : i32
      "tpu.region"() ({
        %run_scoped3A = tpu.sem_alloc : memref<!tpu.dma_semaphore, #tpu.memory_space<semaphore_mem>>
        %dma_start3A = arith.constant 0 : i32
        %dma_start3A_25 = tpu.memref_slice %arg2[%add3A_13, %dma_start3A] : memref<16384x2048xf32, #tpu.memory_space<hbm>> -> memref<8x2048xf32, #tpu.memory_space<hbm>>
        %dma_start3A_26 = arith.constant 0 : i32
        %dma_start3A_27 = tpu.memref_slice %arg2[%add3A_13, %dma_start3A_26] : memref<16384x2048xf32, #tpu.memory_space<hbm>> -> memref<8x2048xf32, #tpu.memory_space<hbm>>
        tpu.enqueue_dma source(%dma_start3A_27 : memref<8x2048xf32, #tpu.memory_space<hbm>>) target(%arg5 : memref<8x2048xf32, #tpu.memory_space<vmem>>) target_semaphore(%run_scoped3A : memref<!tpu.dma_semaphore, #tpu.memory_space<semaphore_mem>>)
        %dma_wait3A = arith.constant 0 : i32
        %dma_wait3A_28 = tpu.memref_slice %arg2[%add3A_13, %dma_wait3A] : memref<16384x2048xf32, #tpu.memory_space<hbm>> -> memref<8x2048xf32, #tpu.memory_space<hbm>>
        %dma_wait3A_29 = arith.constant 0 : i32
        %dma_wait3A_30 = tpu.memref_slice %arg2[%add3A_13, %dma_wait3A_29] : memref<16384x2048xf32, #tpu.memory_space<hbm>> -> memref<8x2048xf32, #tpu.memory_space<hbm>>
        tpu.wait_dma2 semaphore(%run_scoped3A : memref<!tpu.dma_semaphore, #tpu.memory_space<semaphore_mem>>) src(%dma_wait3A_30 : memref<8x2048xf32, #tpu.memory_space<hbm>>) dst(%arg5 : memref<8x2048xf32, #tpu.memory_space<vmem>>)
        tpu.yield
      }) : () -> ()
      "tpu.region"() ({
        %run_scoped3A = tpu.sem_alloc : memref<!tpu.dma_semaphore, #tpu.memory_space<semaphore_mem>>
        %dma_start3A = arith.constant 0 : i32
        %dma_start3A_25 = tpu.memref_slice %arg3[%add3A_13, %dma_start3A] : memref<16384x2048xf32, #tpu.memory_space<hbm>> -> memref<8x2048xf32, #tpu.memory_space<hbm>>
        %dma_start3A_26 = arith.constant 0 : i32
        %dma_start3A_27 = tpu.memref_slice %arg3[%add3A_13, %dma_start3A_26] : memref<16384x2048xf32, #tpu.memory_space<hbm>> -> memref<8x2048xf32, #tpu.memory_space<hbm>>
        tpu.enqueue_dma source(%dma_start3A_27 : memref<8x2048xf32, #tpu.memory_space<hbm>>) target(%arg6 : memref<8x2048xf32, #tpu.memory_space<vmem>>) target_semaphore(%run_scoped3A : memref<!tpu.dma_semaphore, #tpu.memory_space<semaphore_mem>>)
        %dma_wait3A = arith.constant 0 : i32
        %dma_wait3A_28 = tpu.memref_slice %arg3[%add3A_13, %dma_wait3A] : memref<16384x2048xf32, #tpu.memory_space<hbm>> -> memref<8x2048xf32, #tpu.memory_space<hbm>>
        %dma_wait3A_29 = arith.constant 0 : i32
        %dma_wait3A_30 = tpu.memref_slice %arg3[%add3A_13, %dma_wait3A_29] : memref<16384x2048xf32, #tpu.memory_space<hbm>> -> memref<8x2048xf32, #tpu.memory_space<hbm>>
        tpu.wait_dma2 semaphore(%run_scoped3A : memref<!tpu.dma_semaphore, #tpu.memory_space<semaphore_mem>>) src(%dma_wait3A_30 : memref<8x2048xf32, #tpu.memory_space<hbm>>) dst(%arg6 : memref<8x2048xf32, #tpu.memory_space<vmem>>)
        tpu.yield
      }) : () -> ()
      %scan3A_14 = arith.constant 0 : i32
      %scan3A_15 = arith.constant 0 : i32
      %scan3A_16 = arith.constant 16 : i32
      %scan3A_17 = arith.addi %scan3A_15, %scan3A_16 : i32
      %scan3A_18 = arith.constant 1 : i32
      scf.for %scan3A_25 = %scan3A_15 to %scan3A_17 step %scan3A_18  : i32 {
        %mul3A_26 = arith.constant 8 : i32
        %mul3A_27 = arith.muli %scan3A_25, %mul3A_26 : i32
        %add3A_28 = arith.constant 0 : i32
        %add3A_29 = arith.addi %mul3A_27, %add3A_28 : i32
        %mul3A_30 = arith.constant 16 : i32
        %mul3A_31 = arith.muli %add3A_29, %mul3A_30 : i32
        %get3A = arith.constant 0 : i32
        %get3A_32 = arith.index_cast %get3A : i32 to index
        %get3A_33 = arith.index_cast %mul3A_31 : i32 to index
        %get3A_34 = tpu.vector_load %arg5[%get3A_32, %get3A_33] {strides = array<i32>} : memref<8x2048xf32, #tpu.memory_space<vmem>>, vector<1x16xf32>,
        %get3A_35 = vector.shape_cast %get3A_34 : vector<1x16xf32> to vector<16xf32>
        %get3A_36 = arith.constant 0 : i32
        %get3A_37 = arith.index_cast %get3A_36 : i32 to index
        %get3A_38 = arith.index_cast %mul3A_31 : i32 to index
        %get3A_39 = tpu.vector_load %arg6[%get3A_37, %get3A_38] {strides = array<i32>} : memref<8x2048xf32, #tpu.memory_space<vmem>>, vector<1x16xf32>,
        %get3A_40 = vector.shape_cast %get3A_39 : vector<1x16xf32> to vector<16xf32>
        %add3A_41 = arith.addf %get3A_35, %get3A_40 : vector<16xf32>
        %swap3A = arith.constant 0 : i32
        %swap3A_42 = arith.index_cast %swap3A : i32 to index
        %swap3A_43 = arith.index_cast %mul3A_31 : i32 to index
        %swap3A_44 = tpu.vector_load %arg5[%swap3A_42, %swap3A_43] {strides = array<i32>} : memref<8x2048xf32, #tpu.memory_space<vmem>>, vector<1x16xf32>,
        %swap3A_45 = vector.shape_cast %swap3A_44 : vector<1x16xf32> to vector<16xf32>
        %swap3A_46 = vector.shape_cast %add3A_41 : vector<16xf32> to vector<1x16xf32>
        tpu.vector_store %arg5[%swap3A_42, %swap3A_43], %swap3A_46 {strides = array<i32>} : memref<8x2048xf32, #tpu.memory_space<vmem>>, vector<1x16xf32>,
        %get3A_47 = arith.constant 1 : i32
        %get3A_48 = arith.index_cast %get3A_47 : i32 to index
        %get3A_49 = arith.index_cast %mul3A_31 : i32 to index
        %get3A_50 = tpu.vector_load %arg5[%get3A_48, %get3A_49] {strides = array<i32>} : memref<8x2048xf32, #tpu.memory_space<vmem>>, vector<1x16xf32>,
        %get3A_51 = vector.shape_cast %get3A_50 : vector<1x16xf32> to vector<16xf32>
        %get3A_52 = arith.constant 1 : i32
        %get3A_53 = arith.index_cast %get3A_52 : i32 to index
        %get3A_54 = arith.index_cast %mul3A_31 : i32 to index
        %get3A_55 = tpu.vector_load %arg6[%get3A_53, %get3A_54] {strides = array<i32>} : memref<8x2048xf32, #tpu.memory_space<vmem>>, vector<1x16xf32>,
        %get3A_56 = vector.shape_cast %get3A_55 : vector<1x16xf32> to vector<16xf32>
        %add3A_57 = arith.addf %get3A_51, %get3A_56 : vector<16xf32>
        %swap3A_58 = arith.constant 1 : i32
        %swap3A_59 = arith.index_cast %swap3A_58 : i32 to index
        %swap3A_60 = arith.index_cast %mul3A_31 : i32 to index
        %swap3A_61 = tpu.vector_load %arg5[%swap3A_59, %swap3A_60] {strides = array<i32>} : memref<8x2048xf32, #tpu.memory_space<vmem>>, vector<1x16xf32>,
        %swap3A_62 = vector.shape_cast %swap3A_61 : vector<1x16xf32> to vector<16xf32>
        %swap3A_63 = vector.shape_cast %add3A_57 : vector<16xf32> to vector<1x16xf32>
        tpu.vector_store %arg5[%swap3A_59, %swap3A_60], %swap3A_63 {strides = array<i32>} : memref<8x2048xf32, #tpu.memory_space<vmem>>, vector<1x16xf32>,
        %get3A_64 = arith.constant 2 : i32
        %get3A_65 = arith.index_cast %get3A_64 : i32 to index
        %get3A_66 = arith.index_cast %mul3A_31 : i32 to index
        %get3A_67 = tpu.vector_load %arg5[%get3A_65, %get3A_66] {strides = array<i32>} : memref<8x2048xf32, #tpu.memory_space<vmem>>, vector<1x16xf32>,
        %get3A_68 = vector.shape_cast %get3A_67 : vector<1x16xf32> to vector<16xf32>
        %get3A_69 = arith.constant 2 : i32
        %get3A_70 = arith.index_cast %get3A_69 : i32 to index
        %get3A_71 = arith.index_cast %mul3A_31 : i32 to index
        %get3A_72 = tpu.vector_load %arg6[%get3A_70, %get3A_71] {strides = array<i32>} : memref<8x2048xf32, #tpu.memory_space<vmem>>, vector<1x16xf32>,
        %get3A_73 = vector.shape_cast %get3A_72 : vector<1x16xf32> to vector<16xf32>
        %add3A_74 = arith.addf %get3A_68, %get3A_73 : vector<16xf32>
        %swap3A_75 = arith.constant 2 : i32
        %swap3A_76 = arith.index_cast %swap3A_75 : i32 to index
        %swap3A_77 = arith.index_cast %mul3A_31 : i32 to index
        %swap3A_78 = tpu.vector_load %arg5[%swap3A_76, %swap3A_77] {strides = array<i32>} : memref<8x2048xf32, #tpu.memory_space<vmem>>, vector<1x16xf32>,
        %swap3A_79 = vector.shape_cast %swap3A_78 : vector<1x16xf32> to vector<16xf32>
        %swap3A_80 = vector.shape_cast %add3A_74 : vector<16xf32> to vector<1x16xf32>
        tpu.vector_store %arg5[%swap3A_76, %swap3A_77], %swap3A_80 {strides = array<i32>} : memref<8x2048xf32, #tpu.memory_space<vmem>>, vector<1x16xf32>,
        %get3A_81 = arith.constant 3 : i32
        %get3A_82 = arith.index_cast %get3A_81 : i32 to index
        %get3A_83 = arith.index_cast %mul3A_31 : i32 to index
        %get3A_84 = tpu.vector_load %arg5[%get3A_82, %get3A_83] {strides = array<i32>} : memref<8x2048xf32, #tpu.memory_space<vmem>>, vector<1x16xf32>,
        %get3A_85 = vector.shape_cast %get3A_84 : vector<1x16xf32> to vector<16xf32>
        %get3A_86 = arith.constant 3 : i32
        %get3A_87 = arith.index_cast %get3A_86 : i32 to index
        %get3A_88 = arith.index_cast %mul3A_31 : i32 to index
        %get3A_89 = tpu.vector_load %arg6[%get3A_87, %get3A_88] {strides = array<i32>} : memref<8x2048xf32, #tpu.memory_space<vmem>>, vector<1x16xf32>,
        %get3A_90 = vector.shape_cast %get3A_89 : vector<1x16xf32> to vector<16xf32>
        %add3A_91 = arith.addf %get3A_85, %get3A_90 : vector<16xf32>
        %swap3A_92 = arith.constant 3 : i32
        %swap3A_93 = arith.index_cast %swap3A_92 : i32 to index
        %swap3A_94 = arith.index_cast %mul3A_31 : i32 to index
        %swap3A_95 = tpu.vector_load %arg5[%swap3A_93, %swap3A_94] {strides = array<i32>} : memref<8x2048xf32, #tpu.memory_space<vmem>>, vector<1x16xf32>,
        %swap3A_96 = vector.shape_cast %swap3A_95 : vector<1x16xf32> to vector<16xf32>
        %swap3A_97 = vector.shape_cast %add3A_91 : vector<16xf32> to vector<1x16xf32>
        tpu.vector_store %arg5[%swap3A_93, %swap3A_94], %swap3A_97 {strides = array<i32>} : memref<8x2048xf32, #tpu.memory_space<vmem>>, vector<1x16xf32>,
        %get3A_98 = arith.constant 4 : i32
        %get3A_99 = arith.index_cast %get3A_98 : i32 to index
        %get3A_100 = arith.index_cast %mul3A_31 : i32 to index
        %get3A_101 = tpu.vector_load %arg5[%get3A_99, %get3A_100] {strides = array<i32>} : memref<8x2048xf32, #tpu.memory_space<vmem>>, vector<1x16xf32>,
        %get3A_102 = vector.shape_cast %get3A_101 : vector<1x16xf32> to vector<16xf32>
        %get3A_103 = arith.constant 4 : i32
        %get3A_104 = arith.index_cast %get3A_103 : i32 to index
        %get3A_105 = arith.index_cast %mul3A_31 : i32 to index
        %get3A_106 = tpu.vector_load %arg6[%get3A_104, %get3A_105] {strides = array<i32>} : memref<8x2048xf32, #tpu.memory_space<vmem>>, vector<1x16xf32>,
        %get3A_107 = vector.shape_cast %get3A_106 : vector<1x16xf32> to vector<16xf32>
        %add3A_108 = arith.addf %get3A_102, %get3A_107 : vector<16xf32>
        %swap3A_109 = arith.constant 4 : i32
        %swap3A_110 = arith.index_cast %swap3A_109 : i32 to index
        %swap3A_111 = arith.index_cast %mul3A_31 : i32 to index
        %swap3A_112 = tpu.vector_load %arg5[%swap3A_110, %swap3A_111] {strides = array<i32>} : memref<8x2048xf32, #tpu.memory_space<vmem>>, vector<1x16xf32>,
        %swap3A_113 = vector.shape_cast %swap3A_112 : vector<1x16xf32> to vector<16xf32>
        %swap3A_114 = vector.shape_cast %add3A_108 : vector<16xf32> to vector<1x16xf32>
        tpu.vector_store %arg5[%swap3A_110, %swap3A_111], %swap3A_114 {strides = array<i32>} : memref<8x2048xf32, #tpu.memory_space<vmem>>, vector<1x16xf32>,
        %get3A_115 = arith.constant 5 : i32
        %get3A_116 = arith.index_cast %get3A_115 : i32 to index
        %get3A_117 = arith.index_cast %mul3A_31 : i32 to index
        %get3A_118 = tpu.vector_load %arg5[%get3A_116, %get3A_117] {strides = array<i32>} : memref<8x2048xf32, #tpu.memory_space<vmem>>, vector<1x16xf32>,
        %get3A_119 = vector.shape_cast %get3A_118 : vector<1x16xf32> to vector<16xf32>
        %get3A_120 = arith.constant 5 : i32
        %get3A_121 = arith.index_cast %get3A_120 : i32 to index
        %get3A_122 = arith.index_cast %mul3A_31 : i32 to index
        %get3A_123 = tpu.vector_load %arg6[%get3A_121, %get3A_122] {strides = array<i32>} : memref<8x2048xf32, #tpu.memory_space<vmem>>, vector<1x16xf32>,
        %get3A_124 = vector.shape_cast %get3A_123 : vector<1x16xf32> to vector<16xf32>
        %add3A_125 = arith.addf %get3A_119, %get3A_124 : vector<16xf32>
        %swap3A_126 = arith.constant 5 : i32
        %swap3A_127 = arith.index_cast %swap3A_126 : i32 to index
        %swap3A_128 = arith.index_cast %mul3A_31 : i32 to index
        %swap3A_129 = tpu.vector_load %arg5[%swap3A_127, %swap3A_128] {strides = array<i32>} : memref<8x2048xf32, #tpu.memory_space<vmem>>, vector<1x16xf32>,
        %swap3A_130 = vector.shape_cast %swap3A_129 : vector<1x16xf32> to vector<16xf32>
        %swap3A_131 = vector.shape_cast %add3A_125 : vector<16xf32> to vector<1x16xf32>
        tpu.vector_store %arg5[%swap3A_127, %swap3A_128], %swap3A_131 {strides = array<i32>} : memref<8x2048xf32, #tpu.memory_space<vmem>>, vector<1x16xf32>,
        %get3A_132 = arith.constant 6 : i32
        %get3A_133 = arith.index_cast %get3A_132 : i32 to index
        %get3A_134 = arith.index_cast %mul3A_31 : i32 to index
        %get3A_135 = tpu.vector_load %arg5[%get3A_133, %get3A_134] {strides = array<i32>} : memref<8x2048xf32, #tpu.memory_space<vmem>>, vector<1x16xf32>,
        %get3A_136 = vector.shape_cast %get3A_135 : vector<1x16xf32> to vector<16xf32>
        %get3A_137 = arith.constant 6 : i32
        %get3A_138 = arith.index_cast %get3A_137 : i32 to index
        %get3A_139 = arith.index_cast %mul3A_31 : i32 to index
        %get3A_140 = tpu.vector_load %arg6[%get3A_138, %get3A_139] {strides = array<i32>} : memref<8x2048xf32, #tpu.memory_space<vmem>>, vector<1x16xf32>,
        %get3A_141 = vector.shape_cast %get3A_140 : vector<1x16xf32> to vector<16xf32>
        %add3A_142 = arith.addf %get3A_136, %get3A_141 : vector<16xf32>
        %swap3A_143 = arith.constant 6 : i32
        %swap3A_144 = arith.index_cast %swap3A_143 : i32 to index
        %swap3A_145 = arith.index_cast %mul3A_31 : i32 to index
        %swap3A_146 = tpu.vector_load %arg5[%swap3A_144, %swap3A_145] {strides = array<i32>} : memref<8x2048xf32, #tpu.memory_space<vmem>>, vector<1x16xf32>,
        %swap3A_147 = vector.shape_cast %swap3A_146 : vector<1x16xf32> to vector<16xf32>
        %swap3A_148 = vector.shape_cast %add3A_142 : vector<16xf32> to vector<1x16xf32>
        tpu.vector_store %arg5[%swap3A_144, %swap3A_145], %swap3A_148 {strides = array<i32>} : memref<8x2048xf32, #tpu.memory_space<vmem>>, vector<1x16xf32>,
        %get3A_149 = arith.constant 7 : i32
        %get3A_150 = arith.index_cast %get3A_149 : i32 to index
        %get3A_151 = arith.index_cast %mul3A_31 : i32 to index
        %get3A_152 = tpu.vector_load %arg5[%get3A_150, %get3A_151] {strides = array<i32>} : memref<8x2048xf32, #tpu.memory_space<vmem>>, vector<1x16xf32>,
        %get3A_153 = vector.shape_cast %get3A_152 : vector<1x16xf32> to vector<16xf32>
        %get3A_154 = arith.constant 7 : i32
        %get3A_155 = arith.index_cast %get3A_154 : i32 to index
        %get3A_156 = arith.index_cast %mul3A_31 : i32 to index
        %get3A_157 = tpu.vector_load %arg6[%get3A_155, %get3A_156] {strides = array<i32>} : memref<8x2048xf32, #tpu.memory_space<vmem>>, vector<1x16xf32>,
        %get3A_158 = vector.shape_cast %get3A_157 : vector<1x16xf32> to vector<16xf32>
        %add3A_159 = arith.addf %get3A_153, %get3A_158 : vector<16xf32>
        %swap3A_160 = arith.constant 7 : i32
        %swap3A_161 = arith.index_cast %swap3A_160 : i32 to index
        %swap3A_162 = arith.index_cast %mul3A_31 : i32 to index
        %swap3A_163 = tpu.vector_load %arg5[%swap3A_161, %swap3A_162] {strides = array<i32>} : memref<8x2048xf32, #tpu.memory_space<vmem>>, vector<1x16xf32>,
        %swap3A_164 = vector.shape_cast %swap3A_163 : vector<1x16xf32> to vector<16xf32>
        %swap3A_165 = vector.shape_cast %add3A_159 : vector<16xf32> to vector<1x16xf32>
        tpu.vector_store %arg5[%swap3A_161, %swap3A_162], %swap3A_165 {strides = array<i32>} : memref<8x2048xf32, #tpu.memory_space<vmem>>, vector<1x16xf32>,
        %mul3A_166 = arith.constant 8 : i32
        %mul3A_167 = arith.muli %scan3A_25, %mul3A_166 : i32
        %add3A_168 = arith.constant 1 : i32
        %add3A_169 = arith.addi %mul3A_167, %add3A_168 : i32
        %mul3A_170 = arith.constant 16 : i32
        %mul3A_171 = arith.muli %add3A_169, %mul3A_170 : i32
        %get3A_172 = arith.constant 0 : i32
        %get3A_173 = arith.index_cast %get3A_172 : i32 to index
        %get3A_174 = arith.index_cast %mul3A_171 : i32 to index
        %get3A_175 = tpu.vector_load %arg5[%get3A_173, %get3A_174] {strides = array<i32>} : memref<8x2048xf32, #tpu.memory_space<vmem>>, vector<1x16xf32>,
        %get3A_176 = vector.shape_cast %get3A_175 : vector<1x16xf32> to vector<16xf32>
        %get3A_177 = arith.constant 0 : i32
        %get3A_178 = arith.index_cast %get3A_177 : i32 to index
        %get3A_179 = arith.index_cast %mul3A_171 : i32 to index
        %get3A_180 = tpu.vector_load %arg6[%get3A_178, %get3A_179] {strides = array<i32>} : memref<8x2048xf32, #tpu.memory_space<vmem>>, vector<1x16xf32>,
        %get3A_181 = vector.shape_cast %get3A_180 : vector<1x16xf32> to vector<16xf32>
        %add3A_182 = arith.addf %get3A_176, %get3A_181 : vector<16xf32>
        %swap3A_183 = arith.constant 0 : i32
        %swap3A_184 = arith.index_cast %swap3A_183 : i32 to index
        %swap3A_185 = arith.index_cast %mul3A_171 : i32 to index
        %swap3A_186 = tpu.vector_load %arg5[%swap3A_184, %swap3A_185] {strides = array<i32>} : memref<8x2048xf32, #tpu.memory_space<vmem>>, vector<1x16xf32>,
        %swap3A_187 = vector.shape_cast %swap3A_186 : vector<1x16xf32> to vector<16xf32>
        %swap3A_188 = vector.shape_cast %add3A_182 : vector<16xf32> to vector<1x16xf32>
        tpu.vector_store %arg5[%swap3A_184, %swap3A_185], %swap3A_188 {strides = array<i32>} : memref<8x2048xf32, #tpu.memory_space<vmem>>, vector<1x16xf32>,
        %get3A_189 = arith.constant 1 : i32
        %get3A_190 = arith.index_cast %get3A_189 : i32 to index
        %get3A_191 = arith.index_cast %mul3A_171 : i32 to index
        %get3A_192 = tpu.vector_load %arg5[%get3A_190, %get3A_191] {strides = array<i32>} : memref<8x2048xf32, #tpu.memory_space<vmem>>, vector<1x16xf32>,
        %get3A_193 = vector.shape_cast %get3A_192 : vector<1x16xf32> to vector<16xf32>
        %get3A_194 = arith.constant 1 : i32
        %get3A_195 = arith.index_cast %get3A_194 : i32 to index
        %get3A_196 = arith.index_cast %mul3A_171 : i32 to index
        %get3A_197 = tpu.vector_load %arg6[%get3A_195, %get3A_196] {strides = array<i32>} : memref<8x2048xf32, #tpu.memory_space<vmem>>, vector<1x16xf32>,
        %get3A_198 = vector.shape_cast %get3A_197 : vector<1x16xf32> to vector<16xf32>
        %add3A_199 = arith.addf %get3A_193, %get3A_198 : vector<16xf32>
        %swap3A_200 = arith.constant 1 : i32
        %swap3A_201 = arith.index_cast %swap3A_200 : i32 to index
        %swap3A_202 = arith.index_cast %mul3A_171 : i32 to index
        %swap3A_203 = tpu.vector_load %arg5[%swap3A_201, %swap3A_202] {strides = array<i32>} : memref<8x2048xf32, #tpu.memory_space<vmem>>, vector<1x16xf32>,
        %swap3A_204 = vector.shape_cast %swap3A_203 : vector<1x16xf32> to vector<16xf32>
        %swap3A_205 = vector.shape_cast %add3A_199 : vector<16xf32> to vector<1x16xf32>
        tpu.vector_store %arg5[%swap3A_201, %swap3A_202], %swap3A_205 {strides = array<i32>} : memref<8x2048xf32, #tpu.memory_space<vmem>>, vector<1x16xf32>,
        %get3A_206 = arith.constant 2 : i32
        %get3A_207 = arith.index_cast %get3A_206 : i32 to index
        %get3A_208 = arith.index_cast %mul3A_171 : i32 to index
        %get3A_209 = tpu.vector_load %arg5[%get3A_207, %get3A_208] {strides = array<i32>} : memref<8x2048xf32, #tpu.memory_space<vmem>>, vector<1x16xf32>,
        %get3A_210 = vector.shape_cast %get3A_209 : vector<1x16xf32> to vector<16xf32>
        %get3A_211 = arith.constant 2 : i32
        %get3A_212 = arith.index_cast %get3A_211 : i32 to index
        %get3A_213 = arith.index_cast %mul3A_171 : i32 to index
        %get3A_214 = tpu.vector_load %arg6[%get3A_212, %get3A_213] {strides = array<i32>} : memref<8x2048xf32, #tpu.memory_space<vmem>>, vector<1x16xf32>,
        %get3A_215 = vector.shape_cast %get3A_214 : vector<1x16xf32> to vector<16xf32>
        %add3A_216 = arith.addf %get3A_210, %get3A_215 : vector<16xf32>
        %swap3A_217 = arith.constant 2 : i32
        %swap3A_218 = arith.index_cast %swap3A_217 : i32 to index
        %swap3A_219 = arith.index_cast %mul3A_171 : i32 to index
        %swap3A_220 = tpu.vector_load %arg5[%swap3A_218, %swap3A_219] {strides = array<i32>} : memref<8x2048xf32, #tpu.memory_space<vmem>>, vector<1x16xf32>,
        %swap3A_221 = vector.shape_cast %swap3A_220 : vector<1x16xf32> to vector<16xf32>
        %swap3A_222 = vector.shape_cast %add3A_216 : vector<16xf32> to vector<1x16xf32>
        tpu.vector_store %arg5[%swap3A_218, %swap3A_219], %swap3A_222 {strides = array<i32>} : memref<8x2048xf32, #tpu.memory_space<vmem>>, vector<1x16xf32>,
        %get3A_223 = arith.constant 3 : i32
        %get3A_224 = arith.index_cast %get3A_223 : i32 to index
        %get3A_225 = arith.index_cast %mul3A_171 : i32 to index
        %get3A_226 = tpu.vector_load %arg5[%get3A_224, %get3A_225] {strides = array<i32>} : memref<8x2048xf32, #tpu.memory_space<vmem>>, vector<1x16xf32>,
        %get3A_227 = vector.shape_cast %get3A_226 : vector<1x16xf32> to vector<16xf32>
        %get3A_228 = arith.constant 3 : i32
        %get3A_229 = arith.index_cast %get3A_228 : i32 to index
        %get3A_230 = arith.index_cast %mul3A_171 : i32 to index
        %get3A_231 = tpu.vector_load %arg6[%get3A_229, %get3A_230] {strides = array<i32>} : memref<8x2048xf32, #tpu.memory_space<vmem>>, vector<1x16xf32>,
        %get3A_232 = vector.shape_cast %get3A_231 : vector<1x16xf32> to vector<16xf32>
        %add3A_233 = arith.addf %get3A_227, %get3A_232 : vector<16xf32>
        %swap3A_234 = arith.constant 3 : i32
        %swap3A_235 = arith.index_cast %swap3A_234 : i32 to index
        %swap3A_236 = arith.index_cast %mul3A_171 : i32 to index
        %swap3A_237 = tpu.vector_load %arg5[%swap3A_235, %swap3A_236] {strides = array<i32>} : memref<8x2048xf32, #tpu.memory_space<vmem>>, vector<1x16xf32>,
        %swap3A_238 = vector.shape_cast %swap3A_237 : vector<1x16xf32> to vector<16xf32>
        %swap3A_239 = vector.shape_cast %add3A_233 : vector<16xf32> to vector<1x16xf32>
        tpu.vector_store %arg5[%swap3A_235, %swap3A_236], %swap3A_239 {strides = array<i32>} : memref<8x2048xf32, #tpu.memory_space<vmem>>, vector<1x16xf32>,
        %get3A_240 = arith.constant 4 : i32
        %get3A_241 = arith.index_cast %get3A_240 : i32 to index
        %get3A_242 = arith.index_cast %mul3A_171 : i32 to index
        %get3A_243 = tpu.vector_load %arg5[%get3A_241, %get3A_242] {strides = array<i32>} : memref<8x2048xf32, #tpu.memory_space<vmem>>, vector<1x16xf32>,
        %get3A_244 = vector.shape_cast %get3A_243 : vector<1x16xf32> to vector<16xf32>
        %get3A_245 = arith.constant 4 : i32
        %get3A_246 = arith.index_cast %get3A_245 : i32 to index
        %get3A_247 = arith.index_cast %mul3A_171 : i32 to index
        %get3A_248 = tpu.vector_load %arg6[%get3A_246, %get3A_247] {strides = array<i32>} : memref<8x2048xf32, #tpu.memory_space<vmem>>, vector<1x16xf32>,
        %get3A_249 = vector.shape_cast %get3A_248 : vector<1x16xf32> to vector<16xf32>
        %add3A_250 = arith.addf %get3A_244, %get3A_249 : vector<16xf32>
        %swap3A_251 = arith.constant 4 : i32
        %swap3A_252 = arith.index_cast %swap3A_251 : i32 to index
        %swap3A_253 = arith.index_cast %mul3A_171 : i32 to index
        %swap3A_254 = tpu.vector_load %arg5[%swap3A_252, %swap3A_253] {strides = array<i32>} : memref<8x2048xf32, #tpu.memory_space<vmem>>, vector<1x16xf32>,
        %swap3A_255 = vector.shape_cast %swap3A_254 : vector<1x16xf32> to vector<16xf32>
        %swap3A_256 = vector.shape_cast %add3A_250 : vector<16xf32> to vector<1x16xf32>
        tpu.vector_store %arg5[%swap3A_252, %swap3A_253], %swap3A_256 {strides = array<i32>} : memref<8x2048xf32, #tpu.memory_space<vmem>>, vector<1x16xf32>,
        %get3A_257 = arith.constant 5 : i32
        %get3A_258 = arith.index_cast %get3A_257 : i32 to index
        %get3A_259 = arith.index_cast %mul3A_171 : i32 to index
        %get3A_260 = tpu.vector_load %arg5[%get3A_258, %get3A_259] {strides = array<i32>} : memref<8x2048xf32, #tpu.memory_space<vmem>>, vector<1x16xf32>,
        %get3A_261 = vector.shape_cast %get3A_260 : vector<1x16xf32> to vector<16xf32>
        %get3A_262 = arith.constant 5 : i32
        %get3A_263 = arith.index_cast %get3A_262 : i32 to index
        %get3A_264 = arith.index_cast %mul3A_171 : i32 to index
        %get3A_265 = tpu.vector_load %arg6[%get3A_263, %get3A_264] {strides = array<i32>} : memref<8x2048xf32, #tpu.memory_space<vmem>>, vector<1x16xf32>,
        %get3A_266 = vector.shape_cast %get3A_265 : vector<1x16xf32> to vector<16xf32>
        %add3A_267 = arith.addf %get3A_261, %get3A_266 : vector<16xf32>
        %swap3A_268 = arith.constant 5 : i32
        %swap3A_269 = arith.index_cast %swap3A_268 : i32 to index
        %swap3A_270 = arith.index_cast %mul3A_171 : i32 to index
        %swap3A_271 = tpu.vector_load %arg5[%swap3A_269, %swap3A_270] {strides = array<i32>} : memref<8x2048xf32, #tpu.memory_space<vmem>>, vector<1x16xf32>,
        %swap3A_272 = vector.shape_cast %swap3A_271 : vector<1x16xf32> to vector<16xf32>
        %swap3A_273 = vector.shape_cast %add3A_267 : vector<16xf32> to vector<1x16xf32>
        tpu.vector_store %arg5[%swap3A_269, %swap3A_270], %swap3A_273 {strides = array<i32>} : memref<8x2048xf32, #tpu.memory_space<vmem>>, vector<1x16xf32>,
        %get3A_274 = arith.constant 6 : i32
        %get3A_275 = arith.index_cast %get3A_274 : i32 to index
        %get3A_276 = arith.index_cast %mul3A_171 : i32 to index
        %get3A_277 = tpu.vector_load %arg5[%get3A_275, %get3A_276] {strides = array<i32>} : memref<8x2048xf32, #tpu.memory_space<vmem>>, vector<1x16xf32>,
        %get3A_278 = vector.shape_cast %get3A_277 : vector<1x16xf32> to vector<16xf32>
        %get3A_279 = arith.constant 6 : i32
        %get3A_280 = arith.index_cast %get3A_279 : i32 to index
        %get3A_281 = arith.index_cast %mul3A_171 : i32 to index
        %get3A_282 = tpu.vector_load %arg6[%get3A_280, %get3A_281] {strides = array<i32>} : memref<8x2048xf32, #tpu.memory_space<vmem>>, vector<1x16xf32>,
        %get3A_283 = vector.shape_cast %get3A_282 : vector<1x16xf32> to vector<16xf32>
        %add3A_284 = arith.addf %get3A_278, %get3A_283 : vector<16xf32>
        %swap3A_285 = arith.constant 6 : i32
        %swap3A_286 = arith.index_cast %swap3A_285 : i32 to index
        %swap3A_287 = arith.index_cast %mul3A_171 : i32 to index
        %swap3A_288 = tpu.vector_load %arg5[%swap3A_286, %swap3A_287] {strides = array<i32>} : memref<8x2048xf32, #tpu.memory_space<vmem>>, vector<1x16xf32>,
        %swap3A_289 = vector.shape_cast %swap3A_288 : vector<1x16xf32> to vector<16xf32>
        %swap3A_290 = vector.shape_cast %add3A_284 : vector<16xf32> to vector<1x16xf32>
        tpu.vector_store %arg5[%swap3A_286, %swap3A_287], %swap3A_290 {strides = array<i32>} : memref<8x2048xf32, #tpu.memory_space<vmem>>, vector<1x16xf32>,
        %get3A_291 = arith.constant 7 : i32
        %get3A_292 = arith.index_cast %get3A_291 : i32 to index
        %get3A_293 = arith.index_cast %mul3A_171 : i32 to index
        %get3A_294 = tpu.vector_load %arg5[%get3A_292, %get3A_293] {strides = array<i32>} : memref<8x2048xf32, #tpu.memory_space<vmem>>, vector<1x16xf32>,
        %get3A_295 = vector.shape_cast %get3A_294 : vector<1x16xf32> to vector<16xf32>
        %get3A_296 = arith.constant 7 : i32
        %get3A_297 = arith.index_cast %get3A_296 : i32 to index
        %get3A_298 = arith.index_cast %mul3A_171 : i32 to index
        %get3A_299 = tpu.vector_load %arg6[%get3A_297, %get3A_298] {strides = array<i32>} : memref<8x2048xf32, #tpu.memory_space<vmem>>, vector<1x16xf32>,
        %get3A_300 = vector.shape_cast %get3A_299 : vector<1x16xf32> to vector<16xf32>
        %add3A_301 = arith.addf %get3A_295, %get3A_300 : vector<16xf32>
        %swap3A_302 = arith.constant 7 : i32
        %swap3A_303 = arith.index_cast %swap3A_302 : i32 to index
        %swap3A_304 = arith.index_cast %mul3A_171 : i32 to index
        %swap3A_305 = tpu.vector_load %arg5[%swap3A_303, %swap3A_304] {strides = array<i32>} : memref<8x2048xf32, #tpu.memory_space<vmem>>, vector<1x16xf32>,
        %swap3A_306 = vector.shape_cast %swap3A_305 : vector<1x16xf32> to vector<16xf32>
        %swap3A_307 = vector.shape_cast %add3A_301 : vector<16xf32> to vector<1x16xf32>
        tpu.vector_store %arg5[%swap3A_303, %swap3A_304], %swap3A_307 {strides = array<i32>} : memref<8x2048xf32, #tpu.memory_space<vmem>>, vector<1x16xf32>,
        %mul3A_308 = arith.constant 8 : i32
        %mul3A_309 = arith.muli %scan3A_25, %mul3A_308 : i32
        %add3A_310 = arith.constant 2 : i32
        %add3A_311 = arith.addi %mul3A_309, %add3A_310 : i32
        %mul3A_312 = arith.constant 16 : i32
        %mul3A_313 = arith.muli %add3A_311, %mul3A_312 : i32
        %get3A_314 = arith.constant 0 : i32
        %get3A_315 = arith.index_cast %get3A_314 : i32 to index
        %get3A_316 = arith.index_cast %mul3A_313 : i32 to index
        %get3A_317 = tpu.vector_load %arg5[%get3A_315, %get3A_316] {strides = array<i32>} : memref<8x2048xf32, #tpu.memory_space<vmem>>, vector<1x16xf32>,
        %get3A_318 = vector.shape_cast %get3A_317 : vector<1x16xf32> to vector<16xf32>
        %get3A_319 = arith.constant 0 : i32
        %get3A_320 = arith.index_cast %get3A_319 : i32 to index
        %get3A_321 = arith.index_cast %mul3A_313 : i32 to index
        %get3A_322 = tpu.vector_load %arg6[%get3A_320, %get3A_321] {strides = array<i32>} : memref<8x2048xf32, #tpu.memory_space<vmem>>, vector<1x16xf32>,
        %get3A_323 = vector.shape_cast %get3A_322 : vector<1x16xf32> to vector<16xf32>
        %add3A_324 = arith.addf %get3A_318, %get3A_323 : vector<16xf32>
        %swap3A_325 = arith.constant 0 : i32
        %swap3A_326 = arith.index_cast %swap3A_325 : i32 to index
        %swap3A_327 = arith.index_cast %mul3A_313 : i32 to index
        %swap3A_328 = tpu.vector_load %arg5[%swap3A_326, %swap3A_327] {strides = array<i32>} : memref<8x2048xf32, #tpu.memory_space<vmem>>, vector<1x16xf32>,
        %swap3A_329 = vector.shape_cast %swap3A_328 : vector<1x16xf32> to vector<16xf32>
        %swap3A_330 = vector.shape_cast %add3A_324 : vector<16xf32> to vector<1x16xf32>
        tpu.vector_store %arg5[%swap3A_326, %swap3A_327], %swap3A_330 {strides = array<i32>} : memref<8x2048xf32, #tpu.memory_space<vmem>>, vector<1x16xf32>,
        %get3A_331 = arith.constant 1 : i32
        %get3A_332 = arith.index_cast %get3A_331 : i32 to index
        %get3A_333 = arith.index_cast %mul3A_313 : i32 to index
        %get3A_334 = tpu.vector_load %arg5[%get3A_332, %get3A_333] {strides = array<i32>} : memref<8x2048xf32, #tpu.memory_space<vmem>>, vector<1x16xf32>,
        %get3A_335 = vector.shape_cast %get3A_334 : vector<1x16xf32> to vector<16xf32>
        %get3A_336 = arith.constant 1 : i32
        %get3A_337 = arith.index_cast %get3A_336 : i32 to index
        %get3A_338 = arith.index_cast %mul3A_313 : i32 to index
        %get3A_339 = tpu.vector_load %arg6[%get3A_337, %get3A_338] {strides = array<i32>} : memref<8x2048xf32, #tpu.memory_space<vmem>>, vector<1x16xf32>,
        %get3A_340 = vector.shape_cast %get3A_339 : vector<1x16xf32> to vector<16xf32>
        %add3A_341 = arith.addf %get3A_335, %get3A_340 : vector<16xf32>
        %swap3A_342 = arith.constant 1 : i32
        %swap3A_343 = arith.index_cast %swap3A_342 : i32 to index
        %swap3A_344 = arith.index_cast %mul3A_313 : i32 to index
        %swap3A_345 = tpu.vector_load %arg5[%swap3A_343, %swap3A_344] {strides = array<i32>} : memref<8x2048xf32, #tpu.memory_space<vmem>>, vector<1x16xf32>,
        %swap3A_346 = vector.shape_cast %swap3A_345 : vector<1x16xf32> to vector<16xf32>
        %swap3A_347 = vector.shape_cast %add3A_341 : vector<16xf32> to vector<1x16xf32>
        tpu.vector_store %arg5[%swap3A_343, %swap3A_344], %swap3A_347 {strides = array<i32>} : memref<8x2048xf32, #tpu.memory_space<vmem>>, vector<1x16xf32>,
        %get3A_348 = arith.constant 2 : i32
        %get3A_349 = arith.index_cast %get3A_348 : i32 to index
        %get3A_350 = arith.index_cast %mul3A_313 : i32 to index
        %get3A_351 = tpu.vector_load %arg5[%get3A_349, %get3A_350] {strides = array<i32>} : memref<8x2048xf32, #tpu.memory_space<vmem>>, vector<1x16xf32>,
        %get3A_352 = vector.shape_cast %get3A_351 : vector<1x16xf32> to vector<16xf32>
        %get3A_353 = arith.constant 2 : i32
        %get3A_354 = arith.index_cast %get3A_353 : i32 to index
        %get3A_355 = arith.index_cast %mul3A_313 : i32 to index
        %get3A_356 = tpu.vector_load %arg6[%get3A_354, %get3A_355] {strides = array<i32>} : memref<8x2048xf32, #tpu.memory_space<vmem>>, vector<1x16xf32>,
        %get3A_357 = vector.shape_cast %get3A_356 : vector<1x16xf32> to vector<16xf32>
        %add3A_358 = arith.addf %get3A_352, %get3A_357 : vector<16xf32>
        %swap3A_359 = arith.constant 2 : i32
        %swap3A_360 = arith.index_cast %swap3A_359 : i32 to index
        %swap3A_361 = arith.index_cast %mul3A_313 : i32 to index
        %swap3A_362 = tpu.vector_load %arg5[%swap3A_360, %swap3A_361] {strides = array<i32>} : memref<8x2048xf32, #tpu.memory_space<vmem>>, vector<1x16xf32>,
        %swap3A_363 = vector.shape_cast %swap3A_362 : vector<1x16xf32> to vector<16xf32>
        %swap3A_364 = vector.shape_cast %add3A_358 : vector<16xf32> to vector<1x16xf32>
        tpu.vector_store %arg5[%swap3A_360, %swap3A_361], %swap3A_364 {strides = array<i32>} : memref<8x2048xf32, #tpu.memory_space<vmem>>, vector<1x16xf32>,
        %get3A_365 = arith.constant 3 : i32
        %get3A_366 = arith.index_cast %get3A_365 : i32 to index
        %get3A_367 = arith.index_cast %mul3A_313 : i32 to index
        %get3A_368 = tpu.vector_load %arg5[%get3A_366, %get3A_367] {strides = array<i32>} : memref<8x2048xf32, #tpu.memory_space<vmem>>, vector<1x16xf32>,
        %get3A_369 = vector.shape_cast %get3A_368 : vector<1x16xf32> to vector<16xf32>
        %get3A_370 = arith.constant 3 : i32
        %get3A_371 = arith.index_cast %get3A_370 : i32 to index
        %get3A_372 = arith.index_cast %mul3A_313 : i32 to index
        %get3A_373 = tpu.vector_load %arg6[%get3A_371, %get3A_372] {strides = array<i32>} : memref<8x2048xf32, #tpu.memory_space<vmem>>, vector<1x16xf32>,
        %get3A_374 = vector.shape_cast %get3A_373 : vector<1x16xf32> to vector<16xf32>
        %add3A_375 = arith.addf %get3A_369, %get3A_374 : vector<16xf32>
        %swap3A_376 = arith.constant 3 : i32
        %swap3A_377 = arith.index_cast %swap3A_376 : i32 to index
        %swap3A_378 = arith.index_cast %mul3A_313 : i32 to index
        %swap3A_379 = tpu.vector_load %arg5[%swap3A_377, %swap3A_378] {strides = array<i32>} : memref<8x2048xf32, #tpu.memory_space<vmem>>, vector<1x16xf32>,
        %swap3A_380 = vector.shape_cast %swap3A_379 : vector<1x16xf32> to vector<16xf32>
        %swap3A_381 = vector.shape_cast %add3A_375 : vector<16xf32> to vector<1x16xf32>
        tpu.vector_store %arg5[%swap3A_377, %swap3A_378], %swap3A_381 {strides = array<i32>} : memref<8x2048xf32, #tpu.memory_space<vmem>>, vector<1x16xf32>,
        %get3A_382 = arith.constant 4 : i32
        %get3A_383 = arith.index_cast %get3A_382 : i32 to index
        %get3A_384 = arith.index_cast %mul3A_313 : i32 to index
        %get3A_385 = tpu.vector_load %arg5[%get3A_383, %get3A_384] {strides = array<i32>} : memref<8x2048xf32, #tpu.memory_space<vmem>>, vector<1x16xf32>,
        %get3A_386 = vector.shape_cast %get3A_385 : vector<1x16xf32> to vector<16xf32>
        %get3A_387 = arith.constant 4 : i32
        %get3A_388 = arith.index_cast %get3A_387 : i32 to index
        %get3A_389 = arith.index_cast %mul3A_313 : i32 to index
        %get3A_390 = tpu.vector_load %arg6[%get3A_388, %get3A_389] {strides = array<i32>} : memref<8x2048xf32, #tpu.memory_space<vmem>>, vector<1x16xf32>,
        %get3A_391 = vector.shape_cast %get3A_390 : vector<1x16xf32> to vector<16xf32>
        %add3A_392 = arith.addf %get3A_386, %get3A_391 : vector<16xf32>
        %swap3A_393 = arith.constant 4 : i32
        %swap3A_394 = arith.index_cast %swap3A_393 : i32 to index
        %swap3A_395 = arith.index_cast %mul3A_313 : i32 to index
        %swap3A_396 = tpu.vector_load %arg5[%swap3A_394, %swap3A_395] {strides = array<i32>} : memref<8x2048xf32, #tpu.memory_space<vmem>>, vector<1x16xf32>,
        %swap3A_397 = vector.shape_cast %swap3A_396 : vector<1x16xf32> to vector<16xf32>
        %swap3A_398 = vector.shape_cast %add3A_392 : vector<16xf32> to vector<1x16xf32>
        tpu.vector_store %arg5[%swap3A_394, %swap3A_395], %swap3A_398 {strides = array<i32>} : memref<8x2048xf32, #tpu.memory_space<vmem>>, vector<1x16xf32>,
        %get3A_399 = arith.constant 5 : i32
        %get3A_400 = arith.index_cast %get3A_399 : i32 to index
        %get3A_401 = arith.index_cast %mul3A_313 : i32 to index
        %get3A_402 = tpu.vector_load %arg5[%get3A_400, %get3A_401] {strides = array<i32>} : memref<8x2048xf32, #tpu.memory_space<vmem>>, vector<1x16xf32>,
        %get3A_403 = vector.shape_cast %get3A_402 : vector<1x16xf32> to vector<16xf32>
        %get3A_404 = arith.constant 5 : i32
        %get3A_405 = arith.index_cast %get3A_404 : i32 to index
        %get3A_406 = arith.index_cast %mul3A_313 : i32 to index
        %get3A_407 = tpu.vector_load %arg6[%get3A_405, %get3A_406] {strides = array<i32>} : memref<8x2048xf32, #tpu.memory_space<vmem>>, vector<1x16xf32>,
        %get3A_408 = vector.shape_cast %get3A_407 : vector<1x16xf32> to vector<16xf32>
        %add3A_409 = arith.addf %get3A_403, %get3A_408 : vector<16xf32>
        %swap3A_410 = arith.constant 5 : i32
        %swap3A_411 = arith.index_cast %swap3A_410 : i32 to index
        %swap3A_412 = arith.index_cast %mul3A_313 : i32 to index
        %swap3A_413 = tpu.vector_load %arg5[%swap3A_411, %swap3A_412] {strides = array<i32>} : memref<8x2048xf32, #tpu.memory_space<vmem>>, vector<1x16xf32>,
        %swap3A_414 = vector.shape_cast %swap3A_413 : vector<1x16xf32> to vector<16xf32>
        %swap3A_415 = vector.shape_cast %add3A_409 : vector<16xf32> to vector<1x16xf32>
        tpu.vector_store %arg5[%swap3A_411, %swap3A_412], %swap3A_415 {strides = array<i32>} : memref<8x2048xf32, #tpu.memory_space<vmem>>, vector<1x16xf32>,
        %get3A_416 = arith.constant 6 : i32
        %get3A_417 = arith.index_cast %get3A_416 : i32 to index
        %get3A_418 = arith.index_cast %mul3A_313 : i32 to index
        %get3A_419 = tpu.vector_load %arg5[%get3A_417, %get3A_418] {strides = array<i32>} : memref<8x2048xf32, #tpu.memory_space<vmem>>, vector<1x16xf32>,
        %get3A_420 = vector.shape_cast %get3A_419 : vector<1x16xf32> to vector<16xf32>
        %get3A_421 = arith.constant 6 : i32
        %get3A_422 = arith.index_cast %get3A_421 : i32 to index
        %get3A_423 = arith.index_cast %mul3A_313 : i32 to index
        %get3A_424 = tpu.vector_load %arg6[%get3A_422, %get3A_423] {strides = array<i32>} : memref<8x2048xf32, #tpu.memory_space<vmem>>, vector<1x16xf32>,
        %get3A_425 = vector.shape_cast %get3A_424 : vector<1x16xf32> to vector<16xf32>
        %add3A_426 = arith.addf %get3A_420, %get3A_425 : vector<16xf32>
        %swap3A_427 = arith.constant 6 : i32
        %swap3A_428 = arith.index_cast %swap3A_427 : i32 to index
        %swap3A_429 = arith.index_cast %mul3A_313 : i32 to index
        %swap3A_430 = tpu.vector_load %arg5[%swap3A_428, %swap3A_429] {strides = array<i32>} : memref<8x2048xf32, #tpu.memory_space<vmem>>, vector<1x16xf32>,
        %swap3A_431 = vector.shape_cast %swap3A_430 : vector<1x16xf32> to vector<16xf32>
        %swap3A_432 = vector.shape_cast %add3A_426 : vector<16xf32> to vector<1x16xf32>
        tpu.vector_store %arg5[%swap3A_428, %swap3A_429], %swap3A_432 {strides = array<i32>} : memref<8x2048xf32, #tpu.memory_space<vmem>>, vector<1x16xf32>,
        %get3A_433 = arith.constant 7 : i32
        %get3A_434 = arith.index_cast %get3A_433 : i32 to index
        %get3A_435 = arith.index_cast %mul3A_313 : i32 to index
        %get3A_436 = tpu.vector_load %arg5[%get3A_434, %get3A_435] {strides = array<i32>} : memref<8x2048xf32, #tpu.memory_space<vmem>>, vector<1x16xf32>,
        %get3A_437 = vector.shape_cast %get3A_436 : vector<1x16xf32> to vector<16xf32>
        %get3A_438 = arith.constant 7 : i32
        %get3A_439 = arith.index_cast %get3A_438 : i32 to index
        %get3A_440 = arith.index_cast %mul3A_313 : i32 to index
        %get3A_441 = tpu.vector_load %arg6[%get3A_439, %get3A_440] {strides = array<i32>} : memref<8x2048xf32, #tpu.memory_space<vmem>>, vector<1x16xf32>,
        %get3A_442 = vector.shape_cast %get3A_441 : vector<1x16xf32> to vector<16xf32>
        %add3A_443 = arith.addf %get3A_437, %get3A_442 : vector<16xf32>
        %swap3A_444 = arith.constant 7 : i32
        %swap3A_445 = arith.index_cast %swap3A_444 : i32 to index
        %swap3A_446 = arith.index_cast %mul3A_313 : i32 to index
        %swap3A_447 = tpu.vector_load %arg5[%swap3A_445, %swap3A_446] {strides = array<i32>} : memref<8x2048xf32, #tpu.memory_space<vmem>>, vector<1x16xf32>,
        %swap3A_448 = vector.shape_cast %swap3A_447 : vector<1x16xf32> to vector<16xf32>
        %swap3A_449 = vector.shape_cast %add3A_443 : vector<16xf32> to vector<1x16xf32>
        tpu.vector_store %arg5[%swap3A_445, %swap3A_446], %swap3A_449 {strides = array<i32>} : memref<8x2048xf32, #tpu.memory_space<vmem>>, vector<1x16xf32>,
        %mul3A_450 = arith.constant 8 : i32
        %mul3A_451 = arith.muli %scan3A_25, %mul3A_450 : i32
        %add3A_452 = arith.constant 3 : i32
        %add3A_453 = arith.addi %mul3A_451, %add3A_452 : i32
        %mul3A_454 = arith.constant 16 : i32
        %mul3A_455 = arith.muli %add3A_453, %mul3A_454 : i32
        %get3A_456 = arith.constant 0 : i32
        %get3A_457 = arith.index_cast %get3A_456 : i32 to index
        %get3A_458 = arith.index_cast %mul3A_455 : i32 to index
        %get3A_459 = tpu.vector_load %arg5[%get3A_457, %get3A_458] {strides = array<i32>} : memref<8x2048xf32, #tpu.memory_space<vmem>>, vector<1x16xf32>,
        %get3A_460 = vector.shape_cast %get3A_459 : vector<1x16xf32> to vector<16xf32>
        %get3A_461 = arith.constant 0 : i32
        %get3A_462 = arith.index_cast %get3A_461 : i32 to index
        %get3A_463 = arith.index_cast %mul3A_455 : i32 to index
        %get3A_464 = tpu.vector_load %arg6[%get3A_462, %get3A_463] {strides = array<i32>} : memref<8x2048xf32, #tpu.memory_space<vmem>>, vector<1x16xf32>,
        %get3A_465 = vector.shape_cast %get3A_464 : vector<1x16xf32> to vector<16xf32>
        %add3A_466 = arith.addf %get3A_460, %get3A_465 : vector<16xf32>
        %swap3A_467 = arith.constant 0 : i32
        %swap3A_468 = arith.index_cast %swap3A_467 : i32 to index
        %swap3A_469 = arith.index_cast %mul3A_455 : i32 to index
        %swap3A_470 = tpu.vector_load %arg5[%swap3A_468, %swap3A_469] {strides = array<i32>} : memref<8x2048xf32, #tpu.memory_space<vmem>>, vector<1x16xf32>,
        %swap3A_471 = vector.shape_cast %swap3A_470 : vector<1x16xf32> to vector<16xf32>
        %swap3A_472 = vector.shape_cast %add3A_466 : vector<16xf32> to vector<1x16xf32>
        tpu.vector_store %arg5[%swap3A_468, %swap3A_469], %swap3A_472 {strides = array<i32>} : memref<8x2048xf32, #tpu.memory_space<vmem>>, vector<1x16xf32>,
        %get3A_473 = arith.constant 1 : i32
        %get3A_474 = arith.index_cast %get3A_473 : i32 to index
        %get3A_475 = arith.index_cast %mul3A_455 : i32 to index
        %get3A_476 = tpu.vector_load %arg5[%get3A_474, %get3A_475] {strides = array<i32>} : memref<8x2048xf32, #tpu.memory_space<vmem>>, vector<1x16xf32>,
        %get3A_477 = vector.shape_cast %get3A_476 : vector<1x16xf32> to vector<16xf32>
        %get3A_478 = arith.constant 1 : i32
        %get3A_479 = arith.index_cast %get3A_478 : i32 to index
        %get3A_480 = arith.index_cast %mul3A_455 : i32 to index
        %get3A_481 = tpu.vector_load %arg6[%get3A_479, %get3A_480] {strides = array<i32>} : memref<8x2048xf32, #tpu.memory_space<vmem>>, vector<1x16xf32>,
        %get3A_482 = vector.shape_cast %get3A_481 : vector<1x16xf32> to vector<16xf32>
        %add3A_483 = arith.addf %get3A_477, %get3A_482 : vector<16xf32>
        %swap3A_484 = arith.constant 1 : i32
        %swap3A_485 = arith.index_cast %swap3A_484 : i32 to index
        %swap3A_486 = arith.index_cast %mul3A_455 : i32 to index
        %swap3A_487 = tpu.vector_load %arg5[%swap3A_485, %swap3A_486] {strides = array<i32>} : memref<8x2048xf32, #tpu.memory_space<vmem>>, vector<1x16xf32>,
        %swap3A_488 = vector.shape_cast %swap3A_487 : vector<1x16xf32> to vector<16xf32>
        %swap3A_489 = vector.shape_cast %add3A_483 : vector<16xf32> to vector<1x16xf32>
        tpu.vector_store %arg5[%swap3A_485, %swap3A_486], %swap3A_489 {strides = array<i32>} : memref<8x2048xf32, #tpu.memory_space<vmem>>, vector<1x16xf32>,
        %get3A_490 = arith.constant 2 : i32
        %get3A_491 = arith.index_cast %get3A_490 : i32 to index
        %get3A_492 = arith.index_cast %mul3A_455 : i32 to index
        %get3A_493 = tpu.vector_load %arg5[%get3A_491, %get3A_492] {strides = array<i32>} : memref<8x2048xf32, #tpu.memory_space<vmem>>, vector<1x16xf32>,
        %get3A_494 = vector.shape_cast %get3A_493 : vector<1x16xf32> to vector<16xf32>
        %get3A_495 = arith.constant 2 : i32
        %get3A_496 = arith.index_cast %get3A_495 : i32 to index
        %get3A_497 = arith.index_cast %mul3A_455 : i32 to index
        %get3A_498 = tpu.vector_load %arg6[%get3A_496, %get3A_497] {strides = array<i32>} : memref<8x2048xf32, #tpu.memory_space<vmem>>, vector<1x16xf32>,
        %get3A_499 = vector.shape_cast %get3A_498 : vector<1x16xf32> to vector<16xf32>
        %add3A_500 = arith.addf %get3A_494, %get3A_499 : vector<16xf32>
        %swap3A_501 = arith.constant 2 : i32
        %swap3A_502 = arith.index_cast %swap3A_501 : i32 to index
        %swap3A_503 = arith.index_cast %mul3A_455 : i32 to index
        %swap3A_504 = tpu.vector_load %arg5[%swap3A_502, %swap3A_503] {strides = array<i32>} : memref<8x2048xf32, #tpu.memory_space<vmem>>, vector<1x16xf32>,
        %swap3A_505 = vector.shape_cast %swap3A_504 : vector<1x16xf32> to vector<16xf32>
        %swap3A_506 = vector.shape_cast %add3A_500 : vector<16xf32> to vector<1x16xf32>
        tpu.vector_store %arg5[%swap3A_502, %swap3A_503], %swap3A_506 {strides = array<i32>} : memref<8x2048xf32, #tpu.memory_space<vmem>>, vector<1x16xf32>,
        %get3A_507 = arith.constant 3 : i32
        %get3A_508 = arith.index_cast %get3A_507 : i32 to index
        %get3A_509 = arith.index_cast %mul3A_455 : i32 to index
        %get3A_510 = tpu.vector_load %arg5[%get3A_508, %get3A_509] {strides = array<i32>} : memref<8x2048xf32, #tpu.memory_space<vmem>>, vector<1x16xf32>,
        %get3A_511 = vector.shape_cast %get3A_510 : vector<1x16xf32> to vector<16xf32>
        %get3A_512 = arith.constant 3 : i32
        %get3A_513 = arith.index_cast %get3A_512 : i32 to index
        %get3A_514 = arith.index_cast %mul3A_455 : i32 to index
        %get3A_515 = tpu.vector_load %arg6[%get3A_513, %get3A_514] {strides = array<i32>} : memref<8x2048xf32, #tpu.memory_space<vmem>>, vector<1x16xf32>,
        %get3A_516 = vector.shape_cast %get3A_515 : vector<1x16xf32> to vector<16xf32>
        %add3A_517 = arith.addf %get3A_511, %get3A_516 : vector<16xf32>
        %swap3A_518 = arith.constant 3 : i32
        %swap3A_519 = arith.index_cast %swap3A_518 : i32 to index
        %swap3A_520 = arith.index_cast %mul3A_455 : i32 to index
        %swap3A_521 = tpu.vector_load %arg5[%swap3A_519, %swap3A_520] {strides = array<i32>} : memref<8x2048xf32, #tpu.memory_space<vmem>>, vector<1x16xf32>,
        %swap3A_522 = vector.shape_cast %swap3A_521 : vector<1x16xf32> to vector<16xf32>
        %swap3A_523 = vector.shape_cast %add3A_517 : vector<16xf32> to vector<1x16xf32>
        tpu.vector_store %arg5[%swap3A_519, %swap3A_520], %swap3A_523 {strides = array<i32>} : memref<8x2048xf32, #tpu.memory_space<vmem>>, vector<1x16xf32>,
        %get3A_524 = arith.constant 4 : i32
        %get3A_525 = arith.index_cast %get3A_524 : i32 to index
        %get3A_526 = arith.index_cast %mul3A_455 : i32 to index
        %get3A_527 = tpu.vector_load %arg5[%get3A_525, %get3A_526] {strides = array<i32>} : memref<8x2048xf32, #tpu.memory_space<vmem>>, vector<1x16xf32>,
        %get3A_528 = vector.shape_cast %get3A_527 : vector<1x16xf32> to vector<16xf32>
        %get3A_529 = arith.constant 4 : i32
        %get3A_530 = arith.index_cast %get3A_529 : i32 to index
        %get3A_531 = arith.index_cast %mul3A_455 : i32 to index
        %get3A_532 = tpu.vector_load %arg6[%get3A_530, %get3A_531] {strides = array<i32>} : memref<8x2048xf32, #tpu.memory_space<vmem>>, vector<1x16xf32>,
        %get3A_533 = vector.shape_cast %get3A_532 : vector<1x16xf32> to vector<16xf32>
        %add3A_534 = arith.addf %get3A_528, %get3A_533 : vector<16xf32>
        %swap3A_535 = arith.constant 4 : i32
        %swap3A_536 = arith.index_cast %swap3A_535 : i32 to index
        %swap3A_537 = arith.index_cast %mul3A_455 : i32 to index
        %swap3A_538 = tpu.vector_load %arg5[%swap3A_536, %swap3A_537] {strides = array<i32>} : memref<8x2048xf32, #tpu.memory_space<vmem>>, vector<1x16xf32>,
        %swap3A_539 = vector.shape_cast %swap3A_538 : vector<1x16xf32> to vector<16xf32>
        %swap3A_540 = vector.shape_cast %add3A_534 : vector<16xf32> to vector<1x16xf32>
        tpu.vector_store %arg5[%swap3A_536, %swap3A_537], %swap3A_540 {strides = array<i32>} : memref<8x2048xf32, #tpu.memory_space<vmem>>, vector<1x16xf32>,
        %get3A_541 = arith.constant 5 : i32
        %get3A_542 = arith.index_cast %get3A_541 : i32 to index
        %get3A_543 = arith.index_cast %mul3A_455 : i32 to index
        %get3A_544 = tpu.vector_load %arg5[%get3A_542, %get3A_543] {strides = array<i32>} : memref<8x2048xf32, #tpu.memory_space<vmem>>, vector<1x16xf32>,
        %get3A_545 = vector.shape_cast %get3A_544 : vector<1x16xf32> to vector<16xf32>
        %get3A_546 = arith.constant 5 : i32
        %get3A_547 = arith.index_cast %get3A_546 : i32 to index
        %get3A_548 = arith.index_cast %mul3A_455 : i32 to index
        %get3A_549 = tpu.vector_load %arg6[%get3A_547, %get3A_548] {strides = array<i32>} : memref<8x2048xf32, #tpu.memory_space<vmem>>, vector<1x16xf32>,
        %get3A_550 = vector.shape_cast %get3A_549 : vector<1x16xf32> to vector<16xf32>
        %add3A_551 = arith.addf %get3A_545, %get3A_550 : vector<16xf32>
        %swap3A_552 = arith.constant 5 : i32
        %swap3A_553 = arith.index_cast %swap3A_552 : i32 to index
        %swap3A_554 = arith.index_cast %mul3A_455 : i32 to index
        %swap3A_555 = tpu.vector_load %arg5[%swap3A_553, %swap3A_554] {strides = array<i32>} : memref<8x2048xf32, #tpu.memory_space<vmem>>, vector<1x16xf32>,
        %swap3A_556 = vector.shape_cast %swap3A_555 : vector<1x16xf32> to vector<16xf32>
        %swap3A_557 = vector.shape_cast %add3A_551 : vector<16xf32> to vector<1x16xf32>
        tpu.vector_store %arg5[%swap3A_553, %swap3A_554], %swap3A_557 {strides = array<i32>} : memref<8x2048xf32, #tpu.memory_space<vmem>>, vector<1x16xf32>,
        %get3A_558 = arith.constant 6 : i32
        %get3A_559 = arith.index_cast %get3A_558 : i32 to index
        %get3A_560 = arith.index_cast %mul3A_455 : i32 to index
        %get3A_561 = tpu.vector_load %arg5[%get3A_559, %get3A_560] {strides = array<i32>} : memref<8x2048xf32, #tpu.memory_space<vmem>>, vector<1x16xf32>,
        %get3A_562 = vector.shape_cast %get3A_561 : vector<1x16xf32> to vector<16xf32>
        %get3A_563 = arith.constant 6 : i32
        %get3A_564 = arith.index_cast %get3A_563 : i32 to index
        %get3A_565 = arith.index_cast %mul3A_455 : i32 to index
        %get3A_566 = tpu.vector_load %arg6[%get3A_564, %get3A_565] {strides = array<i32>} : memref<8x2048xf32, #tpu.memory_space<vmem>>, vector<1x16xf32>,
        %get3A_567 = vector.shape_cast %get3A_566 : vector<1x16xf32> to vector<16xf32>
        %add3A_568 = arith.addf %get3A_562, %get3A_567 : vector<16xf32>
        %swap3A_569 = arith.constant 6 : i32
        %swap3A_570 = arith.index_cast %swap3A_569 : i32 to index
        %swap3A_571 = arith.index_cast %mul3A_455 : i32 to index
        %swap3A_572 = tpu.vector_load %arg5[%swap3A_570, %swap3A_571] {strides = array<i32>} : memref<8x2048xf32, #tpu.memory_space<vmem>>, vector<1x16xf32>,
        %swap3A_573 = vector.shape_cast %swap3A_572 : vector<1x16xf32> to vector<16xf32>
        %swap3A_574 = vector.shape_cast %add3A_568 : vector<16xf32> to vector<1x16xf32>
        tpu.vector_store %arg5[%swap3A_570, %swap3A_571], %swap3A_574 {strides = array<i32>} : memref<8x2048xf32, #tpu.memory_space<vmem>>, vector<1x16xf32>,
        %get3A_575 = arith.constant 7 : i32
        %get3A_576 = arith.index_cast %get3A_575 : i32 to index
        %get3A_577 = arith.index_cast %mul3A_455 : i32 to index
        %get3A_578 = tpu.vector_load %arg5[%get3A_576, %get3A_577] {strides = array<i32>} : memref<8x2048xf32, #tpu.memory_space<vmem>>, vector<1x16xf32>,
        %get3A_579 = vector.shape_cast %get3A_578 : vector<1x16xf32> to vector<16xf32>
        %get3A_580 = arith.constant 7 : i32
        %get3A_581 = arith.index_cast %get3A_580 : i32 to index
        %get3A_582 = arith.index_cast %mul3A_455 : i32 to index
        %get3A_583 = tpu.vector_load %arg6[%get3A_581, %get3A_582] {strides = array<i32>} : memref<8x2048xf32, #tpu.memory_space<vmem>>, vector<1x16xf32>,
        %get3A_584 = vector.shape_cast %get3A_583 : vector<1x16xf32> to vector<16xf32>
        %add3A_585 = arith.addf %get3A_579, %get3A_584 : vector<16xf32>
        %swap3A_586 = arith.constant 7 : i32
        %swap3A_587 = arith.index_cast %swap3A_586 : i32 to index
        %swap3A_588 = arith.index_cast %mul3A_455 : i32 to index
        %swap3A_589 = tpu.vector_load %arg5[%swap3A_587, %swap3A_588] {strides = array<i32>} : memref<8x2048xf32, #tpu.memory_space<vmem>>, vector<1x16xf32>,
        %swap3A_590 = vector.shape_cast %swap3A_589 : vector<1x16xf32> to vector<16xf32>
        %swap3A_591 = vector.shape_cast %add3A_585 : vector<16xf32> to vector<1x16xf32>
        tpu.vector_store %arg5[%swap3A_587, %swap3A_588], %swap3A_591 {strides = array<i32>} : memref<8x2048xf32, #tpu.memory_space<vmem>>, vector<1x16xf32>,
        %mul3A_592 = arith.constant 8 : i32
        %mul3A_593 = arith.muli %scan3A_25, %mul3A_592 : i32
        %add3A_594 = arith.constant 4 : i32
        %add3A_595 = arith.addi %mul3A_593, %add3A_594 : i32
        %mul3A_596 = arith.constant 16 : i32
        %mul3A_597 = arith.muli %add3A_595, %mul3A_596 : i32
        %get3A_598 = arith.constant 0 : i32
        %get3A_599 = arith.index_cast %get3A_598 : i32 to index
        %get3A_600 = arith.index_cast %mul3A_597 : i32 to index
        %get3A_601 = tpu.vector_load %arg5[%get3A_599, %get3A_600] {strides = array<i32>} : memref<8x2048xf32, #tpu.memory_space<vmem>>, vector<1x16xf32>,
        %get3A_602 = vector.shape_cast %get3A_601 : vector<1x16xf32> to vector<16xf32>
        %get3A_603 = arith.constant 0 : i32
        %get3A_604 = arith.index_cast %get3A_603 : i32 to index
        %get3A_605 = arith.index_cast %mul3A_597 : i32 to index
        %get3A_606 = tpu.vector_load %arg6[%get3A_604, %get3A_605] {strides = array<i32>} : memref<8x2048xf32, #tpu.memory_space<vmem>>, vector<1x16xf32>,
        %get3A_607 = vector.shape_cast %get3A_606 : vector<1x16xf32> to vector<16xf32>
        %add3A_608 = arith.addf %get3A_602, %get3A_607 : vector<16xf32>
        %swap3A_609 = arith.constant 0 : i32
        %swap3A_610 = arith.index_cast %swap3A_609 : i32 to index
        %swap3A_611 = arith.index_cast %mul3A_597 : i32 to index
        %swap3A_612 = tpu.vector_load %arg5[%swap3A_610, %swap3A_611] {strides = array<i32>} : memref<8x2048xf32, #tpu.memory_space<vmem>>, vector<1x16xf32>,
        %swap3A_613 = vector.shape_cast %swap3A_612 : vector<1x16xf32> to vector<16xf32>
        %swap3A_614 = vector.shape_cast %add3A_608 : vector<16xf32> to vector<1x16xf32>
        tpu.vector_store %arg5[%swap3A_610, %swap3A_611], %swap3A_614 {strides = array<i32>} : memref<8x2048xf32, #tpu.memory_space<vmem>>, vector<1x16xf32>,
        %get3A_615 = arith.constant 1 : i32
        %get3A_616 = arith.index_cast %get3A_615 : i32 to index
        %get3A_617 = arith.index_cast %mul3A_597 : i32 to index
        %get3A_618 = tpu.vector_load %arg5[%get3A_616, %get3A_617] {strides = array<i32>} : memref<8x2048xf32, #tpu.memory_space<vmem>>, vector<1x16xf32>,
        %get3A_619 = vector.shape_cast %get3A_618 : vector<1x16xf32> to vector<16xf32>
        %get3A_620 = arith.constant 1 : i32
        %get3A_621 = arith.index_cast %get3A_620 : i32 to index
        %get3A_622 = arith.index_cast %mul3A_597 : i32 to index
        %get3A_623 = tpu.vector_load %arg6[%get3A_621, %get3A_622] {strides = array<i32>} : memref<8x2048xf32, #tpu.memory_space<vmem>>, vector<1x16xf32>,
        %get3A_624 = vector.shape_cast %get3A_623 : vector<1x16xf32> to vector<16xf32>
        %add3A_625 = arith.addf %get3A_619, %get3A_624 : vector<16xf32>
        %swap3A_626 = arith.constant 1 : i32
        %swap3A_627 = arith.index_cast %swap3A_626 : i32 to index
        %swap3A_628 = arith.index_cast %mul3A_597 : i32 to index
        %swap3A_629 = tpu.vector_load %arg5[%swap3A_627, %swap3A_628] {strides = array<i32>} : memref<8x2048xf32, #tpu.memory_space<vmem>>, vector<1x16xf32>,
        %swap3A_630 = vector.shape_cast %swap3A_629 : vector<1x16xf32> to vector<16xf32>
        %swap3A_631 = vector.shape_cast %add3A_625 : vector<16xf32> to vector<1x16xf32>
        tpu.vector_store %arg5[%swap3A_627, %swap3A_628], %swap3A_631 {strides = array<i32>} : memref<8x2048xf32, #tpu.memory_space<vmem>>, vector<1x16xf32>,
        %get3A_632 = arith.constant 2 : i32
        %get3A_633 = arith.index_cast %get3A_632 : i32 to index
        %get3A_634 = arith.index_cast %mul3A_597 : i32 to index
        %get3A_635 = tpu.vector_load %arg5[%get3A_633, %get3A_634] {strides = array<i32>} : memref<8x2048xf32, #tpu.memory_space<vmem>>, vector<1x16xf32>,
        %get3A_636 = vector.shape_cast %get3A_635 : vector<1x16xf32> to vector<16xf32>
        %get3A_637 = arith.constant 2 : i32
        %get3A_638 = arith.index_cast %get3A_637 : i32 to index
        %get3A_639 = arith.index_cast %mul3A_597 : i32 to index
        %get3A_640 = tpu.vector_load %arg6[%get3A_638, %get3A_639] {strides = array<i32>} : memref<8x2048xf32, #tpu.memory_space<vmem>>, vector<1x16xf32>,
        %get3A_641 = vector.shape_cast %get3A_640 : vector<1x16xf32> to vector<16xf32>
        %add3A_642 = arith.addf %get3A_636, %get3A_641 : vector<16xf32>
        %swap3A_643 = arith.constant 2 : i32
        %swap3A_644 = arith.index_cast %swap3A_643 : i32 to index
        %swap3A_645 = arith.index_cast %mul3A_597 : i32 to index
        %swap3A_646 = tpu.vector_load %arg5[%swap3A_644, %swap3A_645] {strides = array<i32>} : memref<8x2048xf32, #tpu.memory_space<vmem>>, vector<1x16xf32>,
        %swap3A_647 = vector.shape_cast %swap3A_646 : vector<1x16xf32> to vector<16xf32>
        %swap3A_648 = vector.shape_cast %add3A_642 : vector<16xf32> to vector<1x16xf32>
        tpu.vector_store %arg5[%swap3A_644, %swap3A_645], %swap3A_648 {strides = array<i32>} : memref<8x2048xf32, #tpu.memory_space<vmem>>, vector<1x16xf32>,
        %get3A_649 = arith.constant 3 : i32
        %get3A_650 = arith.index_cast %get3A_649 : i32 to index
        %get3A_651 = arith.index_cast %mul3A_597 : i32 to index
        %get3A_652 = tpu.vector_load %arg5[%get3A_650, %get3A_651] {strides = array<i32>} : memref<8x2048xf32, #tpu.memory_space<vmem>>, vector<1x16xf32>,
        %get3A_653 = vector.shape_cast %get3A_652 : vector<1x16xf32> to vector<16xf32>
        %get3A_654 = arith.constant 3 : i32
        %get3A_655 = arith.index_cast %get3A_654 : i32 to index
        %get3A_656 = arith.index_cast %mul3A_597 : i32 to index
        %get3A_657 = tpu.vector_load %arg6[%get3A_655, %get3A_656] {strides = array<i32>} : memref<8x2048xf32, #tpu.memory_space<vmem>>, vector<1x16xf32>,
        %get3A_658 = vector.shape_cast %get3A_657 : vector<1x16xf32> to vector<16xf32>
        %add3A_659 = arith.addf %get3A_653, %get3A_658 : vector<16xf32>
        %swap3A_660 = arith.constant 3 : i32
        %swap3A_661 = arith.index_cast %swap3A_660 : i32 to index
        %swap3A_662 = arith.index_cast %mul3A_597 : i32 to index
        %swap3A_663 = tpu.vector_load %arg5[%swap3A_661, %swap3A_662] {strides = array<i32>} : memref<8x2048xf32, #tpu.memory_space<vmem>>, vector<1x16xf32>,
        %swap3A_664 = vector.shape_cast %swap3A_663 : vector<1x16xf32> to vector<16xf32>
        %swap3A_665 = vector.shape_cast %add3A_659 : vector<16xf32> to vector<1x16xf32>
        tpu.vector_store %arg5[%swap3A_661, %swap3A_662], %swap3A_665 {strides = array<i32>} : memref<8x2048xf32, #tpu.memory_space<vmem>>, vector<1x16xf32>,
        %get3A_666 = arith.constant 4 : i32
        %get3A_667 = arith.index_cast %get3A_666 : i32 to index
        %get3A_668 = arith.index_cast %mul3A_597 : i32 to index
        %get3A_669 = tpu.vector_load %arg5[%get3A_667, %get3A_668] {strides = array<i32>} : memref<8x2048xf32, #tpu.memory_space<vmem>>, vector<1x16xf32>,
        %get3A_670 = vector.shape_cast %get3A_669 : vector<1x16xf32> to vector<16xf32>
        %get3A_671 = arith.constant 4 : i32
        %get3A_672 = arith.index_cast %get3A_671 : i32 to index
        %get3A_673 = arith.index_cast %mul3A_597 : i32 to index
        %get3A_674 = tpu.vector_load %arg6[%get3A_672, %get3A_673] {strides = array<i32>} : memref<8x2048xf32, #tpu.memory_space<vmem>>, vector<1x16xf32>,
        %get3A_675 = vector.shape_cast %get3A_674 : vector<1x16xf32> to vector<16xf32>
        %add3A_676 = arith.addf %get3A_670, %get3A_675 : vector<16xf32>
        %swap3A_677 = arith.constant 4 : i32
        %swap3A_678 = arith.index_cast %swap3A_677 : i32 to index
        %swap3A_679 = arith.index_cast %mul3A_597 : i32 to index
        %swap3A_680 = tpu.vector_load %arg5[%swap3A_678, %swap3A_679] {strides = array<i32>} : memref<8x2048xf32, #tpu.memory_space<vmem>>, vector<1x16xf32>,
        %swap3A_681 = vector.shape_cast %swap3A_680 : vector<1x16xf32> to vector<16xf32>
        %swap3A_682 = vector.shape_cast %add3A_676 : vector<16xf32> to vector<1x16xf32>
        tpu.vector_store %arg5[%swap3A_678, %swap3A_679], %swap3A_682 {strides = array<i32>} : memref<8x2048xf32, #tpu.memory_space<vmem>>, vector<1x16xf32>,
        %get3A_683 = arith.constant 5 : i32
        %get3A_684 = arith.index_cast %get3A_683 : i32 to index
        %get3A_685 = arith.index_cast %mul3A_597 : i32 to index
        %get3A_686 = tpu.vector_load %arg5[%get3A_684, %get3A_685] {strides = array<i32>} : memref<8x2048xf32, #tpu.memory_space<vmem>>, vector<1x16xf32>,
        %get3A_687 = vector.shape_cast %get3A_686 : vector<1x16xf32> to vector<16xf32>
        %get3A_688 = arith.constant 5 : i32
        %get3A_689 = arith.index_cast %get3A_688 : i32 to index
        %get3A_690 = arith.index_cast %mul3A_597 : i32 to index
        %get3A_691 = tpu.vector_load %arg6[%get3A_689, %get3A_690] {strides = array<i32>} : memref<8x2048xf32, #tpu.memory_space<vmem>>, vector<1x16xf32>,
        %get3A_692 = vector.shape_cast %get3A_691 : vector<1x16xf32> to vector<16xf32>
        %add3A_693 = arith.addf %get3A_687, %get3A_692 : vector<16xf32>
        %swap3A_694 = arith.constant 5 : i32
        %swap3A_695 = arith.index_cast %swap3A_694 : i32 to index
        %swap3A_696 = arith.index_cast %mul3A_597 : i32 to index
        %swap3A_697 = tpu.vector_load %arg5[%swap3A_695, %swap3A_696] {strides = array<i32>} : memref<8x2048xf32, #tpu.memory_space<vmem>>, vector<1x16xf32>,
        %swap3A_698 = vector.shape_cast %swap3A_697 : vector<1x16xf32> to vector<16xf32>
        %swap3A_699 = vector.shape_cast %add3A_693 : vector<16xf32> to vector<1x16xf32>
        tpu.vector_store %arg5[%swap3A_695, %swap3A_696], %swap3A_699 {strides = array<i32>} : memref<8x2048xf32, #tpu.memory_space<vmem>>, vector<1x16xf32>,
        %get3A_700 = arith.constant 6 : i32
        %get3A_701 = arith.index_cast %get3A_700 : i32 to index
        %get3A_702 = arith.index_cast %mul3A_597 : i32 to index
        %get3A_703 = tpu.vector_load %arg5[%get3A_701, %get3A_702] {strides = array<i32>} : memref<8x2048xf32, #tpu.memory_space<vmem>>, vector<1x16xf32>,
        %get3A_704 = vector.shape_cast %get3A_703 : vector<1x16xf32> to vector<16xf32>
        %get3A_705 = arith.constant 6 : i32
        %get3A_706 = arith.index_cast %get3A_705 : i32 to index
        %get3A_707 = arith.index_cast %mul3A_597 : i32 to index
        %get3A_708 = tpu.vector_load %arg6[%get3A_706, %get3A_707] {strides = array<i32>} : memref<8x2048xf32, #tpu.memory_space<vmem>>, vector<1x16xf32>,
        %get3A_709 = vector.shape_cast %get3A_708 : vector<1x16xf32> to vector<16xf32>
        %add3A_710 = arith.addf %get3A_704, %get3A_709 : vector<16xf32>
        %swap3A_711 = arith.constant 6 : i32
        %swap3A_712 = arith.index_cast %swap3A_711 : i32 to index
        %swap3A_713 = arith.index_cast %mul3A_597 : i32 to index
        %swap3A_714 = tpu.vector_load %arg5[%swap3A_712, %swap3A_713] {strides = array<i32>} : memref<8x2048xf32, #tpu.memory_space<vmem>>, vector<1x16xf32>,
        %swap3A_715 = vector.shape_cast %swap3A_714 : vector<1x16xf32> to vector<16xf32>
        %swap3A_716 = vector.shape_cast %add3A_710 : vector<16xf32> to vector<1x16xf32>
        tpu.vector_store %arg5[%swap3A_712, %swap3A_713], %swap3A_716 {strides = array<i32>} : memref<8x2048xf32, #tpu.memory_space<vmem>>, vector<1x16xf32>,
        %get3A_717 = arith.constant 7 : i32
        %get3A_718 = arith.index_cast %get3A_717 : i32 to index
        %get3A_719 = arith.index_cast %mul3A_597 : i32 to index
        %get3A_720 = tpu.vector_load %arg5[%get3A_718, %get3A_719] {strides = array<i32>} : memref<8x2048xf32, #tpu.memory_space<vmem>>, vector<1x16xf32>,
        %get3A_721 = vector.shape_cast %get3A_720 : vector<1x16xf32> to vector<16xf32>
        %get3A_722 = arith.constant 7 : i32
        %get3A_723 = arith.index_cast %get3A_722 : i32 to index
        %get3A_724 = arith.index_cast %mul3A_597 : i32 to index
        %get3A_725 = tpu.vector_load %arg6[%get3A_723, %get3A_724] {strides = array<i32>} : memref<8x2048xf32, #tpu.memory_space<vmem>>, vector<1x16xf32>,
        %get3A_726 = vector.shape_cast %get3A_725 : vector<1x16xf32> to vector<16xf32>
        %add3A_727 = arith.addf %get3A_721, %get3A_726 : vector<16xf32>
        %swap3A_728 = arith.constant 7 : i32
        %swap3A_729 = arith.index_cast %swap3A_728 : i32 to index
        %swap3A_730 = arith.index_cast %mul3A_597 : i32 to index
        %swap3A_731 = tpu.vector_load %arg5[%swap3A_729, %swap3A_730] {strides = array<i32>} : memref<8x2048xf32, #tpu.memory_space<vmem>>, vector<1x16xf32>,
        %swap3A_732 = vector.shape_cast %swap3A_731 : vector<1x16xf32> to vector<16xf32>
        %swap3A_733 = vector.shape_cast %add3A_727 : vector<16xf32> to vector<1x16xf32>
        tpu.vector_store %arg5[%swap3A_729, %swap3A_730], %swap3A_733 {strides = array<i32>} : memref<8x2048xf32, #tpu.memory_space<vmem>>, vector<1x16xf32>,
        %mul3A_734 = arith.constant 8 : i32
        %mul3A_735 = arith.muli %scan3A_25, %mul3A_734 : i32
        %add3A_736 = arith.constant 5 : i32
        %add3A_737 = arith.addi %mul3A_735, %add3A_736 : i32
        %mul3A_738 = arith.constant 16 : i32
        %mul3A_739 = arith.muli %add3A_737, %mul3A_738 : i32
        %get3A_740 = arith.constant 0 : i32
        %get3A_741 = arith.index_cast %get3A_740 : i32 to index
        %get3A_742 = arith.index_cast %mul3A_739 : i32 to index
        %get3A_743 = tpu.vector_load %arg5[%get3A_741, %get3A_742] {strides = array<i32>} : memref<8x2048xf32, #tpu.memory_space<vmem>>, vector<1x16xf32>,
        %get3A_744 = vector.shape_cast %get3A_743 : vector<1x16xf32> to vector<16xf32>
        %get3A_745 = arith.constant 0 : i32
        %get3A_746 = arith.index_cast %get3A_745 : i32 to index
        %get3A_747 = arith.index_cast %mul3A_739 : i32 to index
        %get3A_748 = tpu.vector_load %arg6[%get3A_746, %get3A_747] {strides = array<i32>} : memref<8x2048xf32, #tpu.memory_space<vmem>>, vector<1x16xf32>,
        %get3A_749 = vector.shape_cast %get3A_748 : vector<1x16xf32> to vector<16xf32>
        %add3A_750 = arith.addf %get3A_744, %get3A_749 : vector<16xf32>
        %swap3A_751 = arith.constant 0 : i32
        %swap3A_752 = arith.index_cast %swap3A_751 : i32 to index
        %swap3A_753 = arith.index_cast %mul3A_739 : i32 to index
        %swap3A_754 = tpu.vector_load %arg5[%swap3A_752, %swap3A_753] {strides = array<i32>} : memref<8x2048xf32, #tpu.memory_space<vmem>>, vector<1x16xf32>,
        %swap3A_755 = vector.shape_cast %swap3A_754 : vector<1x16xf32> to vector<16xf32>
        %swap3A_756 = vector.shape_cast %add3A_750 : vector<16xf32> to vector<1x16xf32>
        tpu.vector_store %arg5[%swap3A_752, %swap3A_753], %swap3A_756 {strides = array<i32>} : memref<8x2048xf32, #tpu.memory_space<vmem>>, vector<1x16xf32>,
        %get3A_757 = arith.constant 1 : i32
        %get3A_758 = arith.index_cast %get3A_757 : i32 to index
        %get3A_759 = arith.index_cast %mul3A_739 : i32 to index
        %get3A_760 = tpu.vector_load %arg5[%get3A_758, %get3A_759] {strides = array<i32>} : memref<8x2048xf32, #tpu.memory_space<vmem>>, vector<1x16xf32>,
        %get3A_761 = vector.shape_cast %get3A_760 : vector<1x16xf32> to vector<16xf32>
        %get3A_762 = arith.constant 1 : i32
        %get3A_763 = arith.index_cast %get3A_762 : i32 to index
        %get3A_764 = arith.index_cast %mul3A_739 : i32 to index
        %get3A_765 = tpu.vector_load %arg6[%get3A_763, %get3A_764] {strides = array<i32>} : memref<8x2048xf32, #tpu.memory_space<vmem>>, vector<1x16xf32>,
        %get3A_766 = vector.shape_cast %get3A_765 : vector<1x16xf32> to vector<16xf32>
        %add3A_767 = arith.addf %get3A_761, %get3A_766 : vector<16xf32>
        %swap3A_768 = arith.constant 1 : i32
        %swap3A_769 = arith.index_cast %swap3A_768 : i32 to index
        %swap3A_770 = arith.index_cast %mul3A_739 : i32 to index
        %swap3A_771 = tpu.vector_load %arg5[%swap3A_769, %swap3A_770] {strides = array<i32>} : memref<8x2048xf32, #tpu.memory_space<vmem>>, vector<1x16xf32>,
        %swap3A_772 = vector.shape_cast %swap3A_771 : vector<1x16xf32> to vector<16xf32>
        %swap3A_773 = vector.shape_cast %add3A_767 : vector<16xf32> to vector<1x16xf32>
        tpu.vector_store %arg5[%swap3A_769, %swap3A_770], %swap3A_773 {strides = array<i32>} : memref<8x2048xf32, #tpu.memory_space<vmem>>, vector<1x16xf32>,
        %get3A_774 = arith.constant 2 : i32
        %get3A_775 = arith.index_cast %get3A_774 : i32 to index
        %get3A_776 = arith.index_cast %mul3A_739 : i32 to index
        %get3A_777 = tpu.vector_load %arg5[%get3A_775, %get3A_776] {strides = array<i32>} : memref<8x2048xf32, #tpu.memory_space<vmem>>, vector<1x16xf32>,
        %get3A_778 = vector.shape_cast %get3A_777 : vector<1x16xf32> to vector<16xf32>
        %get3A_779 = arith.constant 2 : i32
        %get3A_780 = arith.index_cast %get3A_779 : i32 to index
        %get3A_781 = arith.index_cast %mul3A_739 : i32 to index
        %get3A_782 = tpu.vector_load %arg6[%get3A_780, %get3A_781] {strides = array<i32>} : memref<8x2048xf32, #tpu.memory_space<vmem>>, vector<1x16xf32>,
        %get3A_783 = vector.shape_cast %get3A_782 : vector<1x16xf32> to vector<16xf32>
        %add3A_784 = arith.addf %get3A_778, %get3A_783 : vector<16xf32>
        %swap3A_785 = arith.constant 2 : i32
        %swap3A_786 = arith.index_cast %swap3A_785 : i32 to index
        %swap3A_787 = arith.index_cast %mul3A_739 : i32 to index
        %swap3A_788 = tpu.vector_load %arg5[%swap3A_786, %swap3A_787] {strides = array<i32>} : memref<8x2048xf32, #tpu.memory_space<vmem>>, vector<1x16xf32>,
        %swap3A_789 = vector.shape_cast %swap3A_788 : vector<1x16xf32> to vector<16xf32>
        %swap3A_790 = vector.shape_cast %add3A_784 : vector<16xf32> to vector<1x16xf32>
        tpu.vector_store %arg5[%swap3A_786, %swap3A_787], %swap3A_790 {strides = array<i32>} : memref<8x2048xf32, #tpu.memory_space<vmem>>, vector<1x16xf32>,
        %get3A_791 = arith.constant 3 : i32
        %get3A_792 = arith.index_cast %get3A_791 : i32 to index
        %get3A_793 = arith.index_cast %mul3A_739 : i32 to index
        %get3A_794 = tpu.vector_load %arg5[%get3A_792, %get3A_793] {strides = array<i32>} : memref<8x2048xf32, #tpu.memory_space<vmem>>, vector<1x16xf32>,
        %get3A_795 = vector.shape_cast %get3A_794 : vector<1x16xf32> to vector<16xf32>
        %get3A_796 = arith.constant 3 : i32
        %get3A_797 = arith.index_cast %get3A_796 : i32 to index
        %get3A_798 = arith.index_cast %mul3A_739 : i32 to index
        %get3A_799 = tpu.vector_load %arg6[%get3A_797, %get3A_798] {strides = array<i32>} : memref<8x2048xf32, #tpu.memory_space<vmem>>, vector<1x16xf32>,
        %get3A_800 = vector.shape_cast %get3A_799 : vector<1x16xf32> to vector<16xf32>
        %add3A_801 = arith.addf %get3A_795, %get3A_800 : vector<16xf32>
        %swap3A_802 = arith.constant 3 : i32
        %swap3A_803 = arith.index_cast %swap3A_802 : i32 to index
        %swap3A_804 = arith.index_cast %mul3A_739 : i32 to index
        %swap3A_805 = tpu.vector_load %arg5[%swap3A_803, %swap3A_804] {strides = array<i32>} : memref<8x2048xf32, #tpu.memory_space<vmem>>, vector<1x16xf32>,
        %swap3A_806 = vector.shape_cast %swap3A_805 : vector<1x16xf32> to vector<16xf32>
        %swap3A_807 = vector.shape_cast %add3A_801 : vector<16xf32> to vector<1x16xf32>
        tpu.vector_store %arg5[%swap3A_803, %swap3A_804], %swap3A_807 {strides = array<i32>} : memref<8x2048xf32, #tpu.memory_space<vmem>>, vector<1x16xf32>,
        %get3A_808 = arith.constant 4 : i32
        %get3A_809 = arith.index_cast %get3A_808 : i32 to index
        %get3A_810 = arith.index_cast %mul3A_739 : i32 to index
        %get3A_811 = tpu.vector_load %arg5[%get3A_809, %get3A_810] {strides = array<i32>} : memref<8x2048xf32, #tpu.memory_space<vmem>>, vector<1x16xf32>,
        %get3A_812 = vector.shape_cast %get3A_811 : vector<1x16xf32> to vector<16xf32>
        %get3A_813 = arith.constant 4 : i32
        %get3A_814 = arith.index_cast %get3A_813 : i32 to index
        %get3A_815 = arith.index_cast %mul3A_739 : i32 to index
        %get3A_816 = tpu.vector_load %arg6[%get3A_814, %get3A_815] {strides = array<i32>} : memref<8x2048xf32, #tpu.memory_space<vmem>>, vector<1x16xf32>,
        %get3A_817 = vector.shape_cast %get3A_816 : vector<1x16xf32> to vector<16xf32>
        %add3A_818 = arith.addf %get3A_812, %get3A_817 : vector<16xf32>
        %swap3A_819 = arith.constant 4 : i32
        %swap3A_820 = arith.index_cast %swap3A_819 : i32 to index
        %swap3A_821 = arith.index_cast %mul3A_739 : i32 to index
        %swap3A_822 = tpu.vector_load %arg5[%swap3A_820, %swap3A_821] {strides = array<i32>} : memref<8x2048xf32, #tpu.memory_space<vmem>>, vector<1x16xf32>,
        %swap3A_823 = vector.shape_cast %swap3A_822 : vector<1x16xf32> to vector<16xf32>
        %swap3A_824 = vector.shape_cast %add3A_818 : vector<16xf32> to vector<1x16xf32>
        tpu.vector_store %arg5[%swap3A_820, %swap3A_821], %swap3A_824 {strides = array<i32>} : memref<8x2048xf32, #tpu.memory_space<vmem>>, vector<1x16xf32>,
        %get3A_825 = arith.constant 5 : i32
        %get3A_826 = arith.index_cast %get3A_825 : i32 to index
        %get3A_827 = arith.index_cast %mul3A_739 : i32 to index
        %get3A_828 = tpu.vector_load %arg5[%get3A_826, %get3A_827] {strides = array<i32>} : memref<8x2048xf32, #tpu.memory_space<vmem>>, vector<1x16xf32>,
        %get3A_829 = vector.shape_cast %get3A_828 : vector<1x16xf32> to vector<16xf32>
        %get3A_830 = arith.constant 5 : i32
        %get3A_831 = arith.index_cast %get3A_830 : i32 to index
        %get3A_832 = arith.index_cast %mul3A_739 : i32 to index
        %get3A_833 = tpu.vector_load %arg6[%get3A_831, %get3A_832] {strides = array<i32>} : memref<8x2048xf32, #tpu.memory_space<vmem>>, vector<1x16xf32>,
        %get3A_834 = vector.shape_cast %get3A_833 : vector<1x16xf32> to vector<16xf32>
        %add3A_835 = arith.addf %get3A_829, %get3A_834 : vector<16xf32>
        %swap3A_836 = arith.constant 5 : i32
        %swap3A_837 = arith.index_cast %swap3A_836 : i32 to index
        %swap3A_838 = arith.index_cast %mul3A_739 : i32 to index
        %swap3A_839 = tpu.vector_load %arg5[%swap3A_837, %swap3A_838] {strides = array<i32>} : memref<8x2048xf32, #tpu.memory_space<vmem>>, vector<1x16xf32>,
        %swap3A_840 = vector.shape_cast %swap3A_839 : vector<1x16xf32> to vector<16xf32>
        %swap3A_841 = vector.shape_cast %add3A_835 : vector<16xf32> to vector<1x16xf32>
        tpu.vector_store %arg5[%swap3A_837, %swap3A_838], %swap3A_841 {strides = array<i32>} : memref<8x2048xf32, #tpu.memory_space<vmem>>, vector<1x16xf32>,
        %get3A_842 = arith.constant 6 : i32
        %get3A_843 = arith.index_cast %get3A_842 : i32 to index
        %get3A_844 = arith.index_cast %mul3A_739 : i32 to index
        %get3A_845 = tpu.vector_load %arg5[%get3A_843, %get3A_844] {strides = array<i32>} : memref<8x2048xf32, #tpu.memory_space<vmem>>, vector<1x16xf32>,
        %get3A_846 = vector.shape_cast %get3A_845 : vector<1x16xf32> to vector<16xf32>
        %get3A_847 = arith.constant 6 : i32
        %get3A_848 = arith.index_cast %get3A_847 : i32 to index
        %get3A_849 = arith.index_cast %mul3A_739 : i32 to index
        %get3A_850 = tpu.vector_load %arg6[%get3A_848, %get3A_849] {strides = array<i32>} : memref<8x2048xf32, #tpu.memory_space<vmem>>, vector<1x16xf32>,
        %get3A_851 = vector.shape_cast %get3A_850 : vector<1x16xf32> to vector<16xf32>
        %add3A_852 = arith.addf %get3A_846, %get3A_851 : vector<16xf32>
        %swap3A_853 = arith.constant 6 : i32
        %swap3A_854 = arith.index_cast %swap3A_853 : i32 to index
        %swap3A_855 = arith.index_cast %mul3A_739 : i32 to index
        %swap3A_856 = tpu.vector_load %arg5[%swap3A_854, %swap3A_855] {strides = array<i32>} : memref<8x2048xf32, #tpu.memory_space<vmem>>, vector<1x16xf32>,
        %swap3A_857 = vector.shape_cast %swap3A_856 : vector<1x16xf32> to vector<16xf32>
        %swap3A_858 = vector.shape_cast %add3A_852 : vector<16xf32> to vector<1x16xf32>
        tpu.vector_store %arg5[%swap3A_854, %swap3A_855], %swap3A_858 {strides = array<i32>} : memref<8x2048xf32, #tpu.memory_space<vmem>>, vector<1x16xf32>,
        %get3A_859 = arith.constant 7 : i32
        %get3A_860 = arith.index_cast %get3A_859 : i32 to index
        %get3A_861 = arith.index_cast %mul3A_739 : i32 to index
        %get3A_862 = tpu.vector_load %arg5[%get3A_860, %get3A_861] {strides = array<i32>} : memref<8x2048xf32, #tpu.memory_space<vmem>>, vector<1x16xf32>,
        %get3A_863 = vector.shape_cast %get3A_862 : vector<1x16xf32> to vector<16xf32>
        %get3A_864 = arith.constant 7 : i32
        %get3A_865 = arith.index_cast %get3A_864 : i32 to index
        %get3A_866 = arith.index_cast %mul3A_739 : i32 to index
        %get3A_867 = tpu.vector_load %arg6[%get3A_865, %get3A_866] {strides = array<i32>} : memref<8x2048xf32, #tpu.memory_space<vmem>>, vector<1x16xf32>,
        %get3A_868 = vector.shape_cast %get3A_867 : vector<1x16xf32> to vector<16xf32>
        %add3A_869 = arith.addf %get3A_863, %get3A_868 : vector<16xf32>
        %swap3A_870 = arith.constant 7 : i32
        %swap3A_871 = arith.index_cast %swap3A_870 : i32 to index
        %swap3A_872 = arith.index_cast %mul3A_739 : i32 to index
        %swap3A_873 = tpu.vector_load %arg5[%swap3A_871, %swap3A_872] {strides = array<i32>} : memref<8x2048xf32, #tpu.memory_space<vmem>>, vector<1x16xf32>,
        %swap3A_874 = vector.shape_cast %swap3A_873 : vector<1x16xf32> to vector<16xf32>
        %swap3A_875 = vector.shape_cast %add3A_869 : vector<16xf32> to vector<1x16xf32>
        tpu.vector_store %arg5[%swap3A_871, %swap3A_872], %swap3A_875 {strides = array<i32>} : memref<8x2048xf32, #tpu.memory_space<vmem>>, vector<1x16xf32>,
        %mul3A_876 = arith.constant 8 : i32
        %mul3A_877 = arith.muli %scan3A_25, %mul3A_876 : i32
        %add3A_878 = arith.constant 6 : i32
        %add3A_879 = arith.addi %mul3A_877, %add3A_878 : i32
        %mul3A_880 = arith.constant 16 : i32
        %mul3A_881 = arith.muli %add3A_879, %mul3A_880 : i32
        %get3A_882 = arith.constant 0 : i32
        %get3A_883 = arith.index_cast %get3A_882 : i32 to index
        %get3A_884 = arith.index_cast %mul3A_881 : i32 to index
        %get3A_885 = tpu.vector_load %arg5[%get3A_883, %get3A_884] {strides = array<i32>} : memref<8x2048xf32, #tpu.memory_space<vmem>>, vector<1x16xf32>,
        %get3A_886 = vector.shape_cast %get3A_885 : vector<1x16xf32> to vector<16xf32>
        %get3A_887 = arith.constant 0 : i32
        %get3A_888 = arith.index_cast %get3A_887 : i32 to index
        %get3A_889 = arith.index_cast %mul3A_881 : i32 to index
        %get3A_890 = tpu.vector_load %arg6[%get3A_888, %get3A_889] {strides = array<i32>} : memref<8x2048xf32, #tpu.memory_space<vmem>>, vector<1x16xf32>,
        %get3A_891 = vector.shape_cast %get3A_890 : vector<1x16xf32> to vector<16xf32>
        %add3A_892 = arith.addf %get3A_886, %get3A_891 : vector<16xf32>
        %swap3A_893 = arith.constant 0 : i32
        %swap3A_894 = arith.index_cast %swap3A_893 : i32 to index
        %swap3A_895 = arith.index_cast %mul3A_881 : i32 to index
        %swap3A_896 = tpu.vector_load %arg5[%swap3A_894, %swap3A_895] {strides = array<i32>} : memref<8x2048xf32, #tpu.memory_space<vmem>>, vector<1x16xf32>,
        %swap3A_897 = vector.shape_cast %swap3A_896 : vector<1x16xf32> to vector<16xf32>
        %swap3A_898 = vector.shape_cast %add3A_892 : vector<16xf32> to vector<1x16xf32>
        tpu.vector_store %arg5[%swap3A_894, %swap3A_895], %swap3A_898 {strides = array<i32>} : memref<8x2048xf32, #tpu.memory_space<vmem>>, vector<1x16xf32>,
        %get3A_899 = arith.constant 1 : i32
        %get3A_900 = arith.index_cast %get3A_899 : i32 to index
        %get3A_901 = arith.index_cast %mul3A_881 : i32 to index
        %get3A_902 = tpu.vector_load %arg5[%get3A_900, %get3A_901] {strides = array<i32>} : memref<8x2048xf32, #tpu.memory_space<vmem>>, vector<1x16xf32>,
        %get3A_903 = vector.shape_cast %get3A_902 : vector<1x16xf32> to vector<16xf32>
        %get3A_904 = arith.constant 1 : i32
        %get3A_905 = arith.index_cast %get3A_904 : i32 to index
        %get3A_906 = arith.index_cast %mul3A_881 : i32 to index
        %get3A_907 = tpu.vector_load %arg6[%get3A_905, %get3A_906] {strides = array<i32>} : memref<8x2048xf32, #tpu.memory_space<vmem>>, vector<1x16xf32>,
        %get3A_908 = vector.shape_cast %get3A_907 : vector<1x16xf32> to vector<16xf32>
        %add3A_909 = arith.addf %get3A_903, %get3A_908 : vector<16xf32>
        %swap3A_910 = arith.constant 1 : i32
        %swap3A_911 = arith.index_cast %swap3A_910 : i32 to index
        %swap3A_912 = arith.index_cast %mul3A_881 : i32 to index
        %swap3A_913 = tpu.vector_load %arg5[%swap3A_911, %swap3A_912] {strides = array<i32>} : memref<8x2048xf32, #tpu.memory_space<vmem>>, vector<1x16xf32>,
        %swap3A_914 = vector.shape_cast %swap3A_913 : vector<1x16xf32> to vector<16xf32>
        %swap3A_915 = vector.shape_cast %add3A_909 : vector<16xf32> to vector<1x16xf32>
        tpu.vector_store %arg5[%swap3A_911, %swap3A_912], %swap3A_915 {strides = array<i32>} : memref<8x2048xf32, #tpu.memory_space<vmem>>, vector<1x16xf32>,
        %get3A_916 = arith.constant 2 : i32
        %get3A_917 = arith.index_cast %get3A_916 : i32 to index
        %get3A_918 = arith.index_cast %mul3A_881 : i32 to index
        %get3A_919 = tpu.vector_load %arg5[%get3A_917, %get3A_918] {strides = array<i32>} : memref<8x2048xf32, #tpu.memory_space<vmem>>, vector<1x16xf32>,
        %get3A_920 = vector.shape_cast %get3A_919 : vector<1x16xf32> to vector<16xf32>
        %get3A_921 = arith.constant 2 : i32
        %get3A_922 = arith.index_cast %get3A_921 : i32 to index
        %get3A_923 = arith.index_cast %mul3A_881 : i32 to index
        %get3A_924 = tpu.vector_load %arg6[%get3A_922, %get3A_923] {strides = array<i32>} : memref<8x2048xf32, #tpu.memory_space<vmem>>, vector<1x16xf32>,
        %get3A_925 = vector.shape_cast %get3A_924 : vector<1x16xf32> to vector<16xf32>
        %add3A_926 = arith.addf %get3A_920, %get3A_925 : vector<16xf32>
        %swap3A_927 = arith.constant 2 : i32
        %swap3A_928 = arith.index_cast %swap3A_927 : i32 to index
        %swap3A_929 = arith.index_cast %mul3A_881 : i32 to index
        %swap3A_930 = tpu.vector_load %arg5[%swap3A_928, %swap3A_929] {strides = array<i32>} : memref<8x2048xf32, #tpu.memory_space<vmem>>, vector<1x16xf32>,
        %swap3A_931 = vector.shape_cast %swap3A_930 : vector<1x16xf32> to vector<16xf32>
        %swap3A_932 = vector.shape_cast %add3A_926 : vector<16xf32> to vector<1x16xf32>
        tpu.vector_store %arg5[%swap3A_928, %swap3A_929], %swap3A_932 {strides = array<i32>} : memref<8x2048xf32, #tpu.memory_space<vmem>>, vector<1x16xf32>,
        %get3A_933 = arith.constant 3 : i32
        %get3A_934 = arith.index_cast %get3A_933 : i32 to index
        %get3A_935 = arith.index_cast %mul3A_881 : i32 to index
        %get3A_936 = tpu.vector_load %arg5[%get3A_934, %get3A_935] {strides = array<i32>} : memref<8x2048xf32, #tpu.memory_space<vmem>>, vector<1x16xf32>,
        %get3A_937 = vector.shape_cast %get3A_936 : vector<1x16xf32> to vector<16xf32>
        %get3A_938 = arith.constant 3 : i32
        %get3A_939 = arith.index_cast %get3A_938 : i32 to index
        %get3A_940 = arith.index_cast %mul3A_881 : i32 to index
        %get3A_941 = tpu.vector_load %arg6[%get3A_939, %get3A_940] {strides = array<i32>} : memref<8x2048xf32, #tpu.memory_space<vmem>>, vector<1x16xf32>,
        %get3A_942 = vector.shape_cast %get3A_941 : vector<1x16xf32> to vector<16xf32>
        %add3A_943 = arith.addf %get3A_937, %get3A_942 : vector<16xf32>
        %swap3A_944 = arith.constant 3 : i32
        %swap3A_945 = arith.index_cast %swap3A_944 : i32 to index
        %swap3A_946 = arith.index_cast %mul3A_881 : i32 to index
        %swap3A_947 = tpu.vector_load %arg5[%swap3A_945, %swap3A_946] {strides = array<i32>} : memref<8x2048xf32, #tpu.memory_space<vmem>>, vector<1x16xf32>,
        %swap3A_948 = vector.shape_cast %swap3A_947 : vector<1x16xf32> to vector<16xf32>
        %swap3A_949 = vector.shape_cast %add3A_943 : vector<16xf32> to vector<1x16xf32>
        tpu.vector_store %arg5[%swap3A_945, %swap3A_946], %swap3A_949 {strides = array<i32>} : memref<8x2048xf32, #tpu.memory_space<vmem>>, vector<1x16xf32>,
        %get3A_950 = arith.constant 4 : i32
        %get3A_951 = arith.index_cast %get3A_950 : i32 to index
        %get3A_952 = arith.index_cast %mul3A_881 : i32 to index
        %get3A_953 = tpu.vector_load %arg5[%get3A_951, %get3A_952] {strides = array<i32>} : memref<8x2048xf32, #tpu.memory_space<vmem>>, vector<1x16xf32>,
        %get3A_954 = vector.shape_cast %get3A_953 : vector<1x16xf32> to vector<16xf32>
        %get3A_955 = arith.constant 4 : i32
        %get3A_956 = arith.index_cast %get3A_955 : i32 to index
        %get3A_957 = arith.index_cast %mul3A_881 : i32 to index
        %get3A_958 = tpu.vector_load %arg6[%get3A_956, %get3A_957] {strides = array<i32>} : memref<8x2048xf32, #tpu.memory_space<vmem>>, vector<1x16xf32>,
        %get3A_959 = vector.shape_cast %get3A_958 : vector<1x16xf32> to vector<16xf32>
        %add3A_960 = arith.addf %get3A_954, %get3A_959 : vector<16xf32>
        %swap3A_961 = arith.constant 4 : i32
        %swap3A_962 = arith.index_cast %swap3A_961 : i32 to index
        %swap3A_963 = arith.index_cast %mul3A_881 : i32 to index
        %swap3A_964 = tpu.vector_load %arg5[%swap3A_962, %swap3A_963] {strides = array<i32>} : memref<8x2048xf32, #tpu.memory_space<vmem>>, vector<1x16xf32>,
        %swap3A_965 = vector.shape_cast %swap3A_964 : vector<1x16xf32> to vector<16xf32>
        %swap3A_966 = vector.shape_cast %add3A_960 : vector<16xf32> to vector<1x16xf32>
        tpu.vector_store %arg5[%swap3A_962, %swap3A_963], %swap3A_966 {strides = array<i32>} : memref<8x2048xf32, #tpu.memory_space<vmem>>, vector<1x16xf32>,
        %get3A_967 = arith.constant 5 : i32
        %get3A_968 = arith.index_cast %get3A_967 : i32 to index
        %get3A_969 = arith.index_cast %mul3A_881 : i32 to index
        %get3A_970 = tpu.vector_load %arg5[%get3A_968, %get3A_969] {strides = array<i32>} : memref<8x2048xf32, #tpu.memory_space<vmem>>, vector<1x16xf32>,
        %get3A_971 = vector.shape_cast %get3A_970 : vector<1x16xf32> to vector<16xf32>
        %get3A_972 = arith.constant 5 : i32
        %get3A_973 = arith.index_cast %get3A_972 : i32 to index
        %get3A_974 = arith.index_cast %mul3A_881 : i32 to index
        %get3A_975 = tpu.vector_load %arg6[%get3A_973, %get3A_974] {strides = array<i32>} : memref<8x2048xf32, #tpu.memory_space<vmem>>, vector<1x16xf32>,
        %get3A_976 = vector.shape_cast %get3A_975 : vector<1x16xf32> to vector<16xf32>
        %add3A_977 = arith.addf %get3A_971, %get3A_976 : vector<16xf32>
        %swap3A_978 = arith.constant 5 : i32
        %swap3A_979 = arith.index_cast %swap3A_978 : i32 to index
        %swap3A_980 = arith.index_cast %mul3A_881 : i32 to index
        %swap3A_981 = tpu.vector_load %arg5[%swap3A_979, %swap3A_980] {strides = array<i32>} : memref<8x2048xf32, #tpu.memory_space<vmem>>, vector<1x16xf32>,
        %swap3A_982 = vector.shape_cast %swap3A_981 : vector<1x16xf32> to vector<16xf32>
        %swap3A_983 = vector.shape_cast %add3A_977 : vector<16xf32> to vector<1x16xf32>
        tpu.vector_store %arg5[%swap3A_979, %swap3A_980], %swap3A_983 {strides = array<i32>} : memref<8x2048xf32, #tpu.memory_space<vmem>>, vector<1x16xf32>,
        %get3A_984 = arith.constant 6 : i32
        %get3A_985 = arith.index_cast %get3A_984 : i32 to index
        %get3A_986 = arith.index_cast %mul3A_881 : i32 to index
        %get3A_987 = tpu.vector_load %arg5[%get3A_985, %get3A_986] {strides = array<i32>} : memref<8x2048xf32, #tpu.memory_space<vmem>>, vector<1x16xf32>,
        %get3A_988 = vector.shape_cast %get3A_987 : vector<1x16xf32> to vector<16xf32>
        %get3A_989 = arith.constant 6 : i32
        %get3A_990 = arith.index_cast %get3A_989 : i32 to index
        %get3A_991 = arith.index_cast %mul3A_881 : i32 to index
        %get3A_992 = tpu.vector_load %arg6[%get3A_990, %get3A_991] {strides = array<i32>} : memref<8x2048xf32, #tpu.memory_space<vmem>>, vector<1x16xf32>,
        %get3A_993 = vector.shape_cast %get3A_992 : vector<1x16xf32> to vector<16xf32>
        %add3A_994 = arith.addf %get3A_988, %get3A_993 : vector<16xf32>
        %swap3A_995 = arith.constant 6 : i32
        %swap3A_996 = arith.index_cast %swap3A_995 : i32 to index
        %swap3A_997 = arith.index_cast %mul3A_881 : i32 to index
        %swap3A_998 = tpu.vector_load %arg5[%swap3A_996, %swap3A_997] {strides = array<i32>} : memref<8x2048xf32, #tpu.memory_space<vmem>>, vector<1x16xf32>,
        %swap3A_999 = vector.shape_cast %swap3A_998 : vector<1x16xf32> to vector<16xf32>
        %swap3A_1000 = vector.shape_cast %add3A_994 : vector<16xf32> to vector<1x16xf32>
        tpu.vector_store %arg5[%swap3A_996, %swap3A_997], %swap3A_1000 {strides = array<i32>} : memref<8x2048xf32, #tpu.memory_space<vmem>>, vector<1x16xf32>,
        %get3A_1001 = arith.constant 7 : i32
        %get3A_1002 = arith.index_cast %get3A_1001 : i32 to index
        %get3A_1003 = arith.index_cast %mul3A_881 : i32 to index
        %get3A_1004 = tpu.vector_load %arg5[%get3A_1002, %get3A_1003] {strides = array<i32>} : memref<8x2048xf32, #tpu.memory_space<vmem>>, vector<1x16xf32>,
        %get3A_1005 = vector.shape_cast %get3A_1004 : vector<1x16xf32> to vector<16xf32>
        %get3A_1006 = arith.constant 7 : i32
        %get3A_1007 = arith.index_cast %get3A_1006 : i32 to index
        %get3A_1008 = arith.index_cast %mul3A_881 : i32 to index
        %get3A_1009 = tpu.vector_load %arg6[%get3A_1007, %get3A_1008] {strides = array<i32>} : memref<8x2048xf32, #tpu.memory_space<vmem>>, vector<1x16xf32>,
        %get3A_1010 = vector.shape_cast %get3A_1009 : vector<1x16xf32> to vector<16xf32>
        %add3A_1011 = arith.addf %get3A_1005, %get3A_1010 : vector<16xf32>
        %swap3A_1012 = arith.constant 7 : i32
        %swap3A_1013 = arith.index_cast %swap3A_1012 : i32 to index
        %swap3A_1014 = arith.index_cast %mul3A_881 : i32 to index
        %swap3A_1015 = tpu.vector_load %arg5[%swap3A_1013, %swap3A_1014] {strides = array<i32>} : memref<8x2048xf32, #tpu.memory_space<vmem>>, vector<1x16xf32>,
        %swap3A_1016 = vector.shape_cast %swap3A_1015 : vector<1x16xf32> to vector<16xf32>
        %swap3A_1017 = vector.shape_cast %add3A_1011 : vector<16xf32> to vector<1x16xf32>
        tpu.vector_store %arg5[%swap3A_1013, %swap3A_1014], %swap3A_1017 {strides = array<i32>} : memref<8x2048xf32, #tpu.memory_space<vmem>>, vector<1x16xf32>,
        %mul3A_1018 = arith.constant 8 : i32
        %mul3A_1019 = arith.muli %scan3A_25, %mul3A_1018 : i32
        %add3A_1020 = arith.constant 7 : i32
        %add3A_1021 = arith.addi %mul3A_1019, %add3A_1020 : i32
        %mul3A_1022 = arith.constant 16 : i32
        %mul3A_1023 = arith.muli %add3A_1021, %mul3A_1022 : i32
        %get3A_1024 = arith.constant 0 : i32
        %get3A_1025 = arith.index_cast %get3A_1024 : i32 to index
        %get3A_1026 = arith.index_cast %mul3A_1023 : i32 to index
        %get3A_1027 = tpu.vector_load %arg5[%get3A_1025, %get3A_1026] {strides = array<i32>} : memref<8x2048xf32, #tpu.memory_space<vmem>>, vector<1x16xf32>,
        %get3A_1028 = vector.shape_cast %get3A_1027 : vector<1x16xf32> to vector<16xf32>
        %get3A_1029 = arith.constant 0 : i32
        %get3A_1030 = arith.index_cast %get3A_1029 : i32 to index
        %get3A_1031 = arith.index_cast %mul3A_1023 : i32 to index
        %get3A_1032 = tpu.vector_load %arg6[%get3A_1030, %get3A_1031] {strides = array<i32>} : memref<8x2048xf32, #tpu.memory_space<vmem>>, vector<1x16xf32>,
        %get3A_1033 = vector.shape_cast %get3A_1032 : vector<1x16xf32> to vector<16xf32>
        %add3A_1034 = arith.addf %get3A_1028, %get3A_1033 : vector<16xf32>
        %swap3A_1035 = arith.constant 0 : i32
        %swap3A_1036 = arith.index_cast %swap3A_1035 : i32 to index
        %swap3A_1037 = arith.index_cast %mul3A_1023 : i32 to index
        %swap3A_1038 = tpu.vector_load %arg5[%swap3A_1036, %swap3A_1037] {strides = array<i32>} : memref<8x2048xf32, #tpu.memory_space<vmem>>, vector<1x16xf32>,
        %swap3A_1039 = vector.shape_cast %swap3A_1038 : vector<1x16xf32> to vector<16xf32>
        %swap3A_1040 = vector.shape_cast %add3A_1034 : vector<16xf32> to vector<1x16xf32>
        tpu.vector_store %arg5[%swap3A_1036, %swap3A_1037], %swap3A_1040 {strides = array<i32>} : memref<8x2048xf32, #tpu.memory_space<vmem>>, vector<1x16xf32>,
        %get3A_1041 = arith.constant 1 : i32
        %get3A_1042 = arith.index_cast %get3A_1041 : i32 to index
        %get3A_1043 = arith.index_cast %mul3A_1023 : i32 to index
        %get3A_1044 = tpu.vector_load %arg5[%get3A_1042, %get3A_1043] {strides = array<i32>} : memref<8x2048xf32, #tpu.memory_space<vmem>>, vector<1x16xf32>,
        %get3A_1045 = vector.shape_cast %get3A_1044 : vector<1x16xf32> to vector<16xf32>
        %get3A_1046 = arith.constant 1 : i32
        %get3A_1047 = arith.index_cast %get3A_1046 : i32 to index
        %get3A_1048 = arith.index_cast %mul3A_1023 : i32 to index
        %get3A_1049 = tpu.vector_load %arg6[%get3A_1047, %get3A_1048] {strides = array<i32>} : memref<8x2048xf32, #tpu.memory_space<vmem>>, vector<1x16xf32>,
        %get3A_1050 = vector.shape_cast %get3A_1049 : vector<1x16xf32> to vector<16xf32>
        %add3A_1051 = arith.addf %get3A_1045, %get3A_1050 : vector<16xf32>
        %swap3A_1052 = arith.constant 1 : i32
        %swap3A_1053 = arith.index_cast %swap3A_1052 : i32 to index
        %swap3A_1054 = arith.index_cast %mul3A_1023 : i32 to index
        %swap3A_1055 = tpu.vector_load %arg5[%swap3A_1053, %swap3A_1054] {strides = array<i32>} : memref<8x2048xf32, #tpu.memory_space<vmem>>, vector<1x16xf32>,
        %swap3A_1056 = vector.shape_cast %swap3A_1055 : vector<1x16xf32> to vector<16xf32>
        %swap3A_1057 = vector.shape_cast %add3A_1051 : vector<16xf32> to vector<1x16xf32>
        tpu.vector_store %arg5[%swap3A_1053, %swap3A_1054], %swap3A_1057 {strides = array<i32>} : memref<8x2048xf32, #tpu.memory_space<vmem>>, vector<1x16xf32>,
        %get3A_1058 = arith.constant 2 : i32
        %get3A_1059 = arith.index_cast %get3A_1058 : i32 to index
        %get3A_1060 = arith.index_cast %mul3A_1023 : i32 to index
        %get3A_1061 = tpu.vector_load %arg5[%get3A_1059, %get3A_1060] {strides = array<i32>} : memref<8x2048xf32, #tpu.memory_space<vmem>>, vector<1x16xf32>,
        %get3A_1062 = vector.shape_cast %get3A_1061 : vector<1x16xf32> to vector<16xf32>
        %get3A_1063 = arith.constant 2 : i32
        %get3A_1064 = arith.index_cast %get3A_1063 : i32 to index
        %get3A_1065 = arith.index_cast %mul3A_1023 : i32 to index
        %get3A_1066 = tpu.vector_load %arg6[%get3A_1064, %get3A_1065] {strides = array<i32>} : memref<8x2048xf32, #tpu.memory_space<vmem>>, vector<1x16xf32>,
        %get3A_1067 = vector.shape_cast %get3A_1066 : vector<1x16xf32> to vector<16xf32>
        %add3A_1068 = arith.addf %get3A_1062, %get3A_1067 : vector<16xf32>
        %swap3A_1069 = arith.constant 2 : i32
        %swap3A_1070 = arith.index_cast %swap3A_1069 : i32 to index
        %swap3A_1071 = arith.index_cast %mul3A_1023 : i32 to index
        %swap3A_1072 = tpu.vector_load %arg5[%swap3A_1070, %swap3A_1071] {strides = array<i32>} : memref<8x2048xf32, #tpu.memory_space<vmem>>, vector<1x16xf32>,
        %swap3A_1073 = vector.shape_cast %swap3A_1072 : vector<1x16xf32> to vector<16xf32>
        %swap3A_1074 = vector.shape_cast %add3A_1068 : vector<16xf32> to vector<1x16xf32>
        tpu.vector_store %arg5[%swap3A_1070, %swap3A_1071], %swap3A_1074 {strides = array<i32>} : memref<8x2048xf32, #tpu.memory_space<vmem>>, vector<1x16xf32>,
        %get3A_1075 = arith.constant 3 : i32
        %get3A_1076 = arith.index_cast %get3A_1075 : i32 to index
        %get3A_1077 = arith.index_cast %mul3A_1023 : i32 to index
        %get3A_1078 = tpu.vector_load %arg5[%get3A_1076, %get3A_1077] {strides = array<i32>} : memref<8x2048xf32, #tpu.memory_space<vmem>>, vector<1x16xf32>,
        %get3A_1079 = vector.shape_cast %get3A_1078 : vector<1x16xf32> to vector<16xf32>
        %get3A_1080 = arith.constant 3 : i32
        %get3A_1081 = arith.index_cast %get3A_1080 : i32 to index
        %get3A_1082 = arith.index_cast %mul3A_1023 : i32 to index
        %get3A_1083 = tpu.vector_load %arg6[%get3A_1081, %get3A_1082] {strides = array<i32>} : memref<8x2048xf32, #tpu.memory_space<vmem>>, vector<1x16xf32>,
        %get3A_1084 = vector.shape_cast %get3A_1083 : vector<1x16xf32> to vector<16xf32>
        %add3A_1085 = arith.addf %get3A_1079, %get3A_1084 : vector<16xf32>
        %swap3A_1086 = arith.constant 3 : i32
        %swap3A_1087 = arith.index_cast %swap3A_1086 : i32 to index
        %swap3A_1088 = arith.index_cast %mul3A_1023 : i32 to index
        %swap3A_1089 = tpu.vector_load %arg5[%swap3A_1087, %swap3A_1088] {strides = array<i32>} : memref<8x2048xf32, #tpu.memory_space<vmem>>, vector<1x16xf32>,
        %swap3A_1090 = vector.shape_cast %swap3A_1089 : vector<1x16xf32> to vector<16xf32>
        %swap3A_1091 = vector.shape_cast %add3A_1085 : vector<16xf32> to vector<1x16xf32>
        tpu.vector_store %arg5[%swap3A_1087, %swap3A_1088], %swap3A_1091 {strides = array<i32>} : memref<8x2048xf32, #tpu.memory_space<vmem>>, vector<1x16xf32>,
        %get3A_1092 = arith.constant 4 : i32
        %get3A_1093 = arith.index_cast %get3A_1092 : i32 to index
        %get3A_1094 = arith.index_cast %mul3A_1023 : i32 to index
        %get3A_1095 = tpu.vector_load %arg5[%get3A_1093, %get3A_1094] {strides = array<i32>} : memref<8x2048xf32, #tpu.memory_space<vmem>>, vector<1x16xf32>,
        %get3A_1096 = vector.shape_cast %get3A_1095 : vector<1x16xf32> to vector<16xf32>
        %get3A_1097 = arith.constant 4 : i32
        %get3A_1098 = arith.index_cast %get3A_1097 : i32 to index
        %get3A_1099 = arith.index_cast %mul3A_1023 : i32 to index
        %get3A_1100 = tpu.vector_load %arg6[%get3A_1098, %get3A_1099] {strides = array<i32>} : memref<8x2048xf32, #tpu.memory_space<vmem>>, vector<1x16xf32>,
        %get3A_1101 = vector.shape_cast %get3A_1100 : vector<1x16xf32> to vector<16xf32>
        %add3A_1102 = arith.addf %get3A_1096, %get3A_1101 : vector<16xf32>
        %swap3A_1103 = arith.constant 4 : i32
        %swap3A_1104 = arith.index_cast %swap3A_1103 : i32 to index
        %swap3A_1105 = arith.index_cast %mul3A_1023 : i32 to index
        %swap3A_1106 = tpu.vector_load %arg5[%swap3A_1104, %swap3A_1105] {strides = array<i32>} : memref<8x2048xf32, #tpu.memory_space<vmem>>, vector<1x16xf32>,
        %swap3A_1107 = vector.shape_cast %swap3A_1106 : vector<1x16xf32> to vector<16xf32>
        %swap3A_1108 = vector.shape_cast %add3A_1102 : vector<16xf32> to vector<1x16xf32>
        tpu.vector_store %arg5[%swap3A_1104, %swap3A_1105], %swap3A_1108 {strides = array<i32>} : memref<8x2048xf32, #tpu.memory_space<vmem>>, vector<1x16xf32>,
        %get3A_1109 = arith.constant 5 : i32
        %get3A_1110 = arith.index_cast %get3A_1109 : i32 to index
        %get3A_1111 = arith.index_cast %mul3A_1023 : i32 to index
        %get3A_1112 = tpu.vector_load %arg5[%get3A_1110, %get3A_1111] {strides = array<i32>} : memref<8x2048xf32, #tpu.memory_space<vmem>>, vector<1x16xf32>,
        %get3A_1113 = vector.shape_cast %get3A_1112 : vector<1x16xf32> to vector<16xf32>
        %get3A_1114 = arith.constant 5 : i32
        %get3A_1115 = arith.index_cast %get3A_1114 : i32 to index
        %get3A_1116 = arith.index_cast %mul3A_1023 : i32 to index
        %get3A_1117 = tpu.vector_load %arg6[%get3A_1115, %get3A_1116] {strides = array<i32>} : memref<8x2048xf32, #tpu.memory_space<vmem>>, vector<1x16xf32>,
        %get3A_1118 = vector.shape_cast %get3A_1117 : vector<1x16xf32> to vector<16xf32>
        %add3A_1119 = arith.addf %get3A_1113, %get3A_1118 : vector<16xf32>
        %swap3A_1120 = arith.constant 5 : i32
        %swap3A_1121 = arith.index_cast %swap3A_1120 : i32 to index
        %swap3A_1122 = arith.index_cast %mul3A_1023 : i32 to index
        %swap3A_1123 = tpu.vector_load %arg5[%swap3A_1121, %swap3A_1122] {strides = array<i32>} : memref<8x2048xf32, #tpu.memory_space<vmem>>, vector<1x16xf32>,
        %swap3A_1124 = vector.shape_cast %swap3A_1123 : vector<1x16xf32> to vector<16xf32>
        %swap3A_1125 = vector.shape_cast %add3A_1119 : vector<16xf32> to vector<1x16xf32>
        tpu.vector_store %arg5[%swap3A_1121, %swap3A_1122], %swap3A_1125 {strides = array<i32>} : memref<8x2048xf32, #tpu.memory_space<vmem>>, vector<1x16xf32>,
        %get3A_1126 = arith.constant 6 : i32
        %get3A_1127 = arith.index_cast %get3A_1126 : i32 to index
        %get3A_1128 = arith.index_cast %mul3A_1023 : i32 to index
        %get3A_1129 = tpu.vector_load %arg5[%get3A_1127, %get3A_1128] {strides = array<i32>} : memref<8x2048xf32, #tpu.memory_space<vmem>>, vector<1x16xf32>,
        %get3A_1130 = vector.shape_cast %get3A_1129 : vector<1x16xf32> to vector<16xf32>
        %get3A_1131 = arith.constant 6 : i32
        %get3A_1132 = arith.index_cast %get3A_1131 : i32 to index
        %get3A_1133 = arith.index_cast %mul3A_1023 : i32 to index
        %get3A_1134 = tpu.vector_load %arg6[%get3A_1132, %get3A_1133] {strides = array<i32>} : memref<8x2048xf32, #tpu.memory_space<vmem>>, vector<1x16xf32>,
        %get3A_1135 = vector.shape_cast %get3A_1134 : vector<1x16xf32> to vector<16xf32>
        %add3A_1136 = arith.addf %get3A_1130, %get3A_1135 : vector<16xf32>
        %swap3A_1137 = arith.constant 6 : i32
        %swap3A_1138 = arith.index_cast %swap3A_1137 : i32 to index
        %swap3A_1139 = arith.index_cast %mul3A_1023 : i32 to index
        %swap3A_1140 = tpu.vector_load %arg5[%swap3A_1138, %swap3A_1139] {strides = array<i32>} : memref<8x2048xf32, #tpu.memory_space<vmem>>, vector<1x16xf32>,
        %swap3A_1141 = vector.shape_cast %swap3A_1140 : vector<1x16xf32> to vector<16xf32>
        %swap3A_1142 = vector.shape_cast %add3A_1136 : vector<16xf32> to vector<1x16xf32>
        tpu.vector_store %arg5[%swap3A_1138, %swap3A_1139], %swap3A_1142 {strides = array<i32>} : memref<8x2048xf32, #tpu.memory_space<vmem>>, vector<1x16xf32>,
        %get3A_1143 = arith.constant 7 : i32
        %get3A_1144 = arith.index_cast %get3A_1143 : i32 to index
        %get3A_1145 = arith.index_cast %mul3A_1023 : i32 to index
        %get3A_1146 = tpu.vector_load %arg5[%get3A_1144, %get3A_1145] {strides = array<i32>} : memref<8x2048xf32, #tpu.memory_space<vmem>>, vector<1x16xf32>,
        %get3A_1147 = vector.shape_cast %get3A_1146 : vector<1x16xf32> to vector<16xf32>
        %get3A_1148 = arith.constant 7 : i32
        %get3A_1149 = arith.index_cast %get3A_1148 : i32 to index
        %get3A_1150 = arith.index_cast %mul3A_1023 : i32 to index
        %get3A_1151 = tpu.vector_load %arg6[%get3A_1149, %get3A_1150] {strides = array<i32>} : memref<8x2048xf32, #tpu.memory_space<vmem>>, vector<1x16xf32>,
        %get3A_1152 = vector.shape_cast %get3A_1151 : vector<1x16xf32> to vector<16xf32>
        %add3A_1153 = arith.addf %get3A_1147, %get3A_1152 : vector<16xf32>
        %swap3A_1154 = arith.constant 7 : i32
        %swap3A_1155 = arith.index_cast %swap3A_1154 : i32 to index
        %swap3A_1156 = arith.index_cast %mul3A_1023 : i32 to index
        %swap3A_1157 = tpu.vector_load %arg5[%swap3A_1155, %swap3A_1156] {strides = array<i32>} : memref<8x2048xf32, #tpu.memory_space<vmem>>, vector<1x16xf32>,
        %swap3A_1158 = vector.shape_cast %swap3A_1157 : vector<1x16xf32> to vector<16xf32>
        %swap3A_1159 = vector.shape_cast %add3A_1153 : vector<16xf32> to vector<1x16xf32>
        tpu.vector_store %arg5[%swap3A_1155, %swap3A_1156], %swap3A_1159 {strides = array<i32>} : memref<8x2048xf32, #tpu.memory_space<vmem>>, vector<1x16xf32>,
      }
      %scan3A_19 = arith.constant 16 : i32
      %mul3A_20 = arith.constant 16 : i32
      %mul3A_21 = arith.muli %add3A, %mul3A_20 : i32
      %mul3A_22 = arith.constant 8 : i32
      %mul3A_23 = arith.muli %scan3A_10, %mul3A_22 : i32
      %add3A_24 = arith.addi %mul3A_21, %mul3A_23 : i32
      "tpu.region"() ({
        %run_scoped3A = tpu.sem_alloc : memref<!tpu.dma_semaphore, #tpu.memory_space<semaphore_mem>>
        %dma_start3A = arith.constant 0 : i32
        %dma_start3A_25 = tpu.memref_slice %arg4[%add3A_24, %dma_start3A] : memref<512x2048xf32, #tpu.memory_space<hbm>> -> memref<8x2048xf32, #tpu.memory_space<hbm>>
        %dma_start3A_26 = arith.constant 0 : i32
        %dma_start3A_27 = tpu.memref_slice %arg4[%add3A_24, %dma_start3A_26] : memref<512x2048xf32, #tpu.memory_space<hbm>> -> memref<8x2048xf32, #tpu.memory_space<hbm>>
        tpu.enqueue_dma source(%arg5 : memref<8x2048xf32, #tpu.memory_space<vmem>>) target(%dma_start3A_27 : memref<8x2048xf32, #tpu.memory_space<hbm>>) target_semaphore(%run_scoped3A : memref<!tpu.dma_semaphore, #tpu.memory_space<semaphore_mem>>)
        %dma_wait3A = arith.constant 0 : i32
        %dma_wait3A_28 = tpu.memref_slice %arg4[%add3A_24, %dma_wait3A] : memref<512x2048xf32, #tpu.memory_space<hbm>> -> memref<8x2048xf32, #tpu.memory_space<hbm>>
        %dma_wait3A_29 = arith.constant 0 : i32
        %dma_wait3A_30 = tpu.memref_slice %arg4[%add3A_24, %dma_wait3A_29] : memref<512x2048xf32, #tpu.memory_space<hbm>> -> memref<8x2048xf32, #tpu.memory_space<hbm>>
        tpu.wait_dma2 semaphore(%run_scoped3A : memref<!tpu.dma_semaphore, #tpu.memory_space<semaphore_mem>>) src(%arg5 : memref<8x2048xf32, #tpu.memory_space<vmem>>) dst(%dma_wait3A_30 : memref<8x2048xf32, #tpu.memory_space<hbm>>)
        tpu.yield
      }) : () -> ()
    }
    %scan3A_9 = arith.constant 2 : i32
    return
  }
}

module attributes {stable_mosaic.version = 14 : i64} {
  func.func @_merge_kernel(%arg0: i32, %arg1: memref<8x128xf32, #tpu.memory_space<vmem>>, %arg2: memref<512x2048xf32, #tpu.memory_space<vmem>>, %arg3: memref<512x2048xf32, #tpu.memory_space<vmem>>) attributes {dimension_semantics = [#tpu.dimension_semantics<arbitrary>], iteration_bounds = array<i64: 1>, scalar_prefetch = 0 : i64, scratch_operands = 0 : i64, tpu.core_type = #tpu.core_type<tc>, window_params = [{transform_indices = @transform_0, window_bounds = array<i64: 8, 128>}, {transform_indices = @transform_1, window_bounds = array<i64: 512, 2048>}, {transform_indices = @transform_2, window_bounds = array<i64: 512, 2048>}]} {
    %get3A = arith.constant 0 : index
    %get3A_0 = arith.constant 0 : index
    %get3A_1 = vector.load %arg2[%get3A, %get3A_0] : memref<512x2048xf32, #tpu.memory_space<vmem>>, vector<512x2048xf32>
    %swap3A = arith.constant 0 : index
    %swap3A_2 = arith.constant 0 : index
    %swap3A_3 = vector.load %arg3[%swap3A, %swap3A_2] : memref<512x2048xf32, #tpu.memory_space<vmem>>, vector<512x2048xf32>
    tpu.vector_store %arg3[%swap3A, %swap3A_2], %get3A_1 {strides = array<i32>} : memref<512x2048xf32, #tpu.memory_space<vmem>>, vector<512x2048xf32>,
    return
  }
  func.func @transform_0(%arg0: i32) -> (i32, i32) {
    %c0_i32 = arith.constant 0 : i32
    %c0_i32_0 = arith.constant 0 : i32
    %c0_i32_1 = arith.constant 0 : i32
    return %c0_i32, %c0_i32_0 : i32, i32
  }
  func.func @transform_1(%arg0: i32) -> (i32, i32) {
    %c0_i32 = arith.constant 0 : i32
    %c0_i32_0 = arith.constant 0 : i32
    return %arg0, %c0_i32 : i32, i32
  }
  func.func @transform_2(%arg0: i32) -> (i32, i32) {
    %add3A = arith.constant 31 : i32
    %add3A_0 = arith.addi %arg0, %add3A : i32
    %c0_i32 = arith.constant 0 : i32
    %c0_i32_1 = arith.constant 0 : i32
    return %add3A_0, %c0_i32 : i32, i32
  }
}

module attributes {stable_mosaic.version = 14 : i64} {
  func.func @_tc_add_kernel(%arg0: i32, %arg1: memref<512x2048xf32, #tpu.memory_space<vmem>>, %arg2: memref<512x2048xf32, #tpu.memory_space<vmem>>, %arg3: memref<512x2048xf32, #tpu.memory_space<vmem>>) attributes {dimension_semantics = [#tpu.dimension_semantics<arbitrary>], iteration_bounds = array<i64: 31>, scalar_prefetch = 0 : i64, scratch_operands = 0 : i64, tpu.core_type = #tpu.core_type<tc>, window_params = [{transform_indices = @transform_0, window_bounds = array<i64: 512, 2048>}, {transform_indices = @transform_1, window_bounds = array<i64: 512, 2048>}, {transform_indices = @transform_2, window_bounds = array<i64: 512, 2048>}]} {
    %get3A = arith.constant 0 : index
    %get3A_0 = arith.constant 0 : index
    %get3A_1 = vector.load %arg1[%get3A, %get3A_0] : memref<512x2048xf32, #tpu.memory_space<vmem>>, vector<512x2048xf32>
    %get3A_2 = arith.constant 0 : index
    %get3A_3 = arith.constant 0 : index
    %get3A_4 = vector.load %arg2[%get3A_2, %get3A_3] : memref<512x2048xf32, #tpu.memory_space<vmem>>, vector<512x2048xf32>
    %add3A = arith.addf %get3A_1, %get3A_4 : vector<512x2048xf32>
    %swap3A = arith.constant 0 : index
    %swap3A_5 = arith.constant 0 : index
    %swap3A_6 = vector.load %arg3[%swap3A, %swap3A_5] : memref<512x2048xf32, #tpu.memory_space<vmem>>, vector<512x2048xf32>
    tpu.vector_store %arg3[%swap3A, %swap3A_5], %add3A {strides = array<i32>} : memref<512x2048xf32, #tpu.memory_space<vmem>>, vector<512x2048xf32>,
    return
  }
  func.func @transform_0(%arg0: i32) -> (i32, i32) {
    %c0_i32 = arith.constant 0 : i32
    %c0_i32_0 = arith.constant 0 : i32
    return %arg0, %c0_i32 : i32, i32
  }
  func.func @transform_1(%arg0: i32) -> (i32, i32) {
    %c0_i32 = arith.constant 0 : i32
    %c0_i32_0 = arith.constant 0 : i32
    return %arg0, %c0_i32 : i32, i32
  }
  func.func @transform_2(%arg0: i32) -> (i32, i32) {
    %c0_i32 = arith.constant 0 : i32
    %c0_i32_0 = arith.constant 0 : i32
    return %arg0, %c0_i32 : i32, i32
  }
}

</mosaic_0001>

<sc_bundles>
// kernel: kernel.5.cloned.1.call-start
scs
__scs_entry_jumppad:
0x0: {  	(pc) =	sbr.rel $0x88, $3  }
0x1: {  	(tag) =	ssettag $0x0;
	lr =	simm.s32 $0x1  }
0x2: {  	[smem:$0x3F9F] =	sst lr;
	_ =	strace $0xD0000000  }
0x3: {  	_ = 	snop  }
0x4: {  	_ = 	snop  }
0x5: {  	_ = 	snop  }
0x6: {  	_ = 	snop  }
0x7: {  	_ = 	snop  }
__scs_overlays_trampoline_lowered:
0x8: {  	[smem:$0x3FAE] =	sst s0  }
0x9: {  	[smem:$0x3FAF] =	sst s1  }
0xa: {  	[smem:$0x3FB0] =	sst s2  }
0xb: {  	[smem:$0x3FB1] =	sst s3  }
0xc: {  	[smem:$0x3FB2] =	sst s4  }
0xd: {  	[smem:$0x3FB3] =	sst s5  }
0xe: {  	[smem:$0x3FB4] =	sst s6  }
0xf: {  	[smem:$0x3FB5] =	sst s7  }
0x10: {  	[smem:$0x3FB6] =	sst s8  }
0x11: {  	[smem:$0x3FB7] =	sst s9;
	s0 =	simm.s32 @!p0 $0x0  }
0x12: {  	s1 =	sld [smem:$0x3F9D];
	s0 =	simm.s32 @p0 $0x1  }
0x13: {  	[smem:$0x3FB8] =	sst s0;
	s0 =	simm.s32 @!p1 $0x0  }
0x14: {  	s2 =	sld [smem:$0x3F9C];
	s0 =	simm.s32 @p1 $0x1  }
0x15: {  	[smem:$0x3FB9] =	sst s0;
	s0 =	simm.s32 @!p2 $0x0  }
0x16: {  	s3 =	sld [smem:$0x3FDB];
	s0 =	simm.s32 @p2 $0x1  }
0x17: {  	s4 =	simm.s32 $0x1BF5;
	[smem:$0x3FBB] =	sst s0  }
0x18: {  	s0 =	sld [smem:$0x3F9E];
	_ =	swait.ge [sflag:s4], $0x0  }
0x19: {  	s7 =	sld [smem:$0x3F9F]  }
0x1a: {  	s8 =	sadd.s32 $0xFFFFE003, lr  }
0x1b: {  	s9 =	sadd.s32 $0xFFFFFEF7, lr;
	s5 =	simm.s32 $0xFFFFFFFF;
	p2 =	slt.u32 s8, $0xFFFFF086  }
0x1c: {  	p1 =	slt.u32 s9, $0xF7A;
	s5 =	simm.s32 @!p2 $0x0  }
0x1d: {  	s5 =	simm.s32 @p1 $0x1;
	p0 =	seq.s32 s7, s2  }
0x1e: {  	s7 =	smul.u32 @!p0 $0xF7A, s2;
	p2 =	seq.s32 @!p0 s5, $0x0  }
0x1f: {  	s9 =	smul.u32 $0xF7A, s1;
	s8 =	simm.s32 @!p0 $0x1BF5;
	p2 =	por !p2, p0  }
0x20: {  	[sflag:s8] =	ssyncset.s32 @!p0 $0xFFFFF086;
	s6 =	sadd.s32 @!p0 s3, s7;
	s7 =	simm.s32 @!p0 $0x108  }
0x21: {  	s3 =	sadd.s32 s3, s9;
	s6 =	sadd.s32 @!p0 $0x88, s6;
	s7 =	simm.s32 @p2 $0x1082  }
0x22: {  	[simem:s7], [sflag:s8] =	dma.local @!p0 [hbm:s6], $0xF7A  }
0x23: {  	s9 =	sor.u32 $0xD0000000, s2;
	s6 =	simm.s32 $0x108;
	_ =	swait.ge @!p0 [sflag:s8], $0x0  }
0x24: {  	s3 =	sadd.s32 $0x88, s3;
	s6 =	simm.s32 @!p1 $0x1082;
	[sflag:s4] =	ssyncset.s32 $0xFFFFF086  }
0x25: {  	[simem:s6], [sflag:s4] =	dma.local [hbm:s3], $0xF7A  }
0x26: {  	[smem:$0x3F9F] =	sst s1;
	(tag) =	ssettag s2;
	_ =	strace s9  }
0x27: {  	s1 =	sld [smem:$0x3FAF]  }
0x28: {  	s2 =	sld [smem:$0x3FB0]  }
0x29: {  	s4 =	sld [smem:$0x3FB2]  }
0x2a: {  	p0 =	seq.s32 s5, $0x0;
	s5 =	sld [smem:$0x3FB3]  }
0x2b: {  	s6 =	sld [smem:$0x3FB4]  }
0x2c: {  	s7 =	sld [smem:$0x3FB5]  }
0x2d: {  	s3 =	simm.s32 $0x108;
	s8 =	sld [smem:$0x3FB6]  }
0x2e: {  	s3 =	simm.s32 @!p0 $0x1082;
	s9 =	sld [smem:$0x3FB7]  }
0x2f: {  	lr =	sadd.s32 s0, s3;
	s0 =	sld [smem:$0x3FAE]  }
0x30: {  	s3 =	sld [smem:$0x3FB1]  }
0x31: {  	[smem:$0x3FBA] =	sst s10  }
0x32: {  	s10 =	sld [smem:$0x3FB8];
	_ =	sdelay $0x3  }
0x33: {  	p0 =	seq.s32 s10, $0x1;
	s10 =	sld [smem:$0x3FBA];
	_ =	sdelay $0x3  }
0x34: {  	[smem:$0x3FBA] =	sst s10  }
0x35: {  	s10 =	sld [smem:$0x3FB9];
	_ =	sdelay $0x3  }
0x36: {  	p1 =	seq.s32 s10, $0x1;
	s10 =	sld [smem:$0x3FBA];
	_ =	sdelay $0x3  }
0x37: {  	[smem:$0x3FBA] =	sst s10  }
0x38: {  	s10 =	sld [smem:$0x3FBB]  }
0x39: {  	_ = 	snop;
	(pc) =	sbr.ind lr, $3  }
0x3a: {  	_ = 	snop  }
0x3b: {  	_ = 	snop  }
0x3c: {  	p2 =	seq.s32 s10, $0x1;
	s10 =	sld [smem:$0x3FBA]  }
0x3d: {  	_ =	shalt  }
0x3e: {  	_ =	shalt  }
0x3f: {  	_ =	shalt  }
0x40: {  	_ =	shalt  }
0x41: {  	_ =	shalt  }
0x42: {  	_ =	shalt  }
0x43: {  	_ =	shalt  }
0x44: {  	_ =	shalt  }
0x45: {  	_ =	shalt  }
0x46: {  	_ =	shalt  }
0x47: {  	_ =	shalt  }
0x48: {  	_ =	shalt  }
0x49: {  	_ =	shalt  }
0x4a: {  	_ =	shalt  }
0x4b: {  	_ =	shalt  }
0x4c: {  	_ =	shalt  }
0x4d: {  	_ =	shalt  }
0x4e: {  	_ =	shalt  }
0x4f: {  	_ =	shalt  }
0x50: {  	_ =	shalt  }
0x51: {  	_ =	shalt  }
0x52: {  	_ =	shalt  }
0x53: {  	_ =	shalt  }
0x54: {  	_ =	shalt  }
0x55: {  	_ =	shalt  }
0x56: {  	_ =	shalt  }
0x57: {  	_ =	shalt  }
0x58: {  	_ =	shalt  }
0x59: {  	_ =	shalt  }
0x5a: {  	_ =	shalt  }
0x5b: {  	_ =	shalt  }
0x5c: {  	_ =	shalt  }
0x5d: {  	_ =	shalt  }
0x5e: {  	_ =	shalt  }
0x5f: {  	_ =	shalt  }
0x60: {  	_ =	shalt  }
0x61: {  	_ =	shalt  }
0x62: {  	_ =	shalt  }
0x63: {  	_ =	shalt  }
0x64: {  	_ =	shalt  }
0x65: {  	_ =	shalt  }
0x66: {  	_ =	shalt  }
0x67: {  	_ =	shalt  }
0x68: {  	_ =	shalt  }
0x69: {  	_ =	shalt  }
0x6a: {  	_ =	shalt  }
0x6b: {  	_ =	shalt  }
0x6c: {  	_ =	shalt  }
0x6d: {  	_ =	shalt  }
0x6e: {  	_ =	shalt  }
0x6f: {  	_ =	shalt  }
0x70: {  	_ =	shalt  }
0x71: {  	_ =	shalt  }
0x72: {  	_ =	shalt  }
0x73: {  	_ =	shalt  }
0x74: {  	_ =	shalt  }
0x75: {  	_ =	shalt  }
0x76: {  	_ =	shalt  }
0x77: {  	_ =	shalt  }
0x78: {  	_ =	shalt  }
0x79: {  	_ =	shalt  }
0x7a: {  	_ =	shalt  }
0x7b: {  	_ =	shalt  }
0x7c: {  	_ =	shalt  }
0x7d: {  	_ =	shalt  }
0x7e: {  	_ =	shalt  }
0x7f: {  	_ =	shalt  }
0x80: {  	_ =	shalt  }
0x81: {  	_ =	shalt  }
0x82: {  	_ =	shalt  }
0x83: {  	_ =	shalt  }
0x84: {  	_ =	shalt  }
0x85: {  	_ =	shalt  }
0x86: {  	_ =	shalt  }
0x87: {  	_ =	shalt  }
.Lfunc_end0:
.L_simem_size_0:
called_computation_lowered:
.L_overlay_start_0:
0x88: {  	s2 =	sld [smem:$0x3FD9]  }
0x89: {  	s3 =	sld [smem:$0x3FFE];
	_ =	sdelay $0x1  }
0x8a: {  	s1 =	srdreg.scid  }
0x8b: {  	s0 =	sand.u32 $0x1, s1  }
0x8c: {  	s17 =	sshll.u32 s0, $0xA;
	s2 =	sadd.s32 s3, s2  }
0x8d: {  	s2 =	sadd.s32 s2, s17  }
0x8e: {  	[smem:$0x3FC6] =	sst s2  }
0x8f: {  	_ = 	snop  }
0x90: {  	s2 =	sld [smem:$0x3FC9]  }
0x91: {  	s18 =	sld [smem:$0x3FC8];
	(tm) =	ssettm $0x1  }
0x92: {  	s4 =	sld [smem:$0x3FFB];
	_ =	sdelay $0x3  }
0x93: {  	_ =	strace s4  }
0x94: {  	s4 =	sld [smem:$0x3FFC];
	_ =	sdelay $0x3  }
0x95: {  	_ =	strace s4  }
0x96: {  	s4 =	sld [smem:$0x3FFD];
	_ =	sdelay $0x3  }
0x97: {  	_ =	strace s4  }
0x98: {  	_ =	strace $0x8FFFFFFF  }
0x99: {  	s19 =	sld [smem:$0x3FDB];
	_ =	sdelay $0x1  }
0x9a: {  	s5 =	simm.s32 $_scs_section_size  }
0x9b: {  	s6 =	simm.s32 $_size__tile_overlayer_lowered;
	s7 =	simm.s32 $_tile_overlayer_lowered  }
0x9c: {  	s22 =	simm.s32 $0x1BFF;
	s21 =	sshll.u32 s7, $0x1;
	s4 =	sadd.s32 s5, s19  }
0x9d: {  	s8 =	simm.s32 $0x0;
	s20 =	sshll.u32 s6, $0x1;
	s6 =	sadd.s32 s21, s4  }
0x9e: {  	[timem:s8], [sflag:s22] =	dma.local [hbm:s6], s20  }
0x9f: {  	_ =	swait.ge [sflag:s22], s20  }
0xa0: {  	s5 =	ssub.s32 $0x0, s20;
	[sflag:s22] =	ssyncset.done $0x0  }
0xa1: {  	[sflag:s22] =	ssyncadd.s32 s5;
	_ =	sdelay $0x1  }
0xa2: {  	s23 =	simm.s32 $0x1B8B  }
0xa3: {  	_ =	swait.ge [sflag:s23], $0x1  }
0xa4: {  	[sflag:s23] =	ssyncset.done $0x0  }
0xa5: {  	s25 =	simm.s32 $0x1B8E;
	s24 =	sld [smem:$0x3FFE];
	[sflag:s23] =	ssyncadd.s32 $0xFFFFFFFF  }
0xa6: {  	s26 =	simm.s32 $execute0_lowered;
	[smem:$0x3FD2] =	sst s25  }
0xa7: {  	s6 =	sshll.u32 s26, $0x1;
	_ =	strace $0x80000046;
	[dreg:$0x1] =	wrdreg $0xFFFFFFFF  }
0xa8: {  	s28 =	simm.s32 $_size_execute0_lowered;
	s4 =	sadd.s32 s4, s6;
	[dreg:$0x0] =	wrdreg $0x0  }
0xa9: {  	s6 =	sshll.u32 s28, $0x1;
	[dreg:$0x2] =	wrdreg s4  }
0xaa: {  	[dreg:$0x3] =	wrdreg s6  }
0xab: {  	[dreg:$0x4] =	wrdreg $0xC0  }
0xac: {  	_ =	task [dreg:s8], $0x5FFFF  }
0xad: {  	[dreg:$0x1] =	wrdreg $0xFFFFFFFF  }
0xae: {  	[dreg:$0x0] =	wrdreg $0x60  }
0xaf: {  	[dreg:$0x2] =	wrdreg s2  }
0xb0: {  	[dreg:$0x3] =	wrdreg s18  }
0xb1: {  	[dreg:$0x4] =	wrdreg s24  }
0xb2: {  	[dreg:$0x5] =	wrdreg $0x9  }
0xb3: {  	_ =	task.clear_ibuf [dreg:s8], $0x6FFFF;
	_ =	strace $0x90000046  }
0xb4: {  	s29 =	simm.s32 $0x9;
	_ =	strace $0x80000048  }
0xb5: {  	_ =	swait.ge [sflag:s29], $0x1  }
0xb6: {  	[sflag:s29] =	ssyncadd.s32 $0xFFFFFFFF  }
0xb7: {  	_ =	strace $0x90000048  }
0xb8: {  	_ =	sfence  }
0xb9: {  	s30 =	sld [smem:$0x0];
	_ =	sdelay $0x2  }
0xba: {  	s31 =	sshll.u32 s1, $0xD;
	s1 =	sshrl.u32 s1, $0x2  }
0xbb: {  	s3 =	sand.u32 $0x4000, s31;
	s1 =	sadd.s32 s1, s30  }
0xbc: {  	s0 =	sor.u32 s3, s0;
	s1 =	sshll.u32 s1, $0x11  }
0xbd: {  	s0 =	sor.u32 s1, s0  }
0xbe: {  	s0 =	sadd.s32 $0x8F2B, s0  }
0xbf: {  	[sflag:s0] =	ssyncadd.remote.s32 $0x1  }
0xc0: {  	_ =	sfence.sel $0xFFFF  }
0xc1: {  	[dreg:$0x0] =	wrdreg $0xFFFFFFFF;
	(pc) =	sbr.abs _section_cstart, $3  }
0xc2: {  	[dreg:$0x1] =	wrdreg $0xFFFFFFFF  }
0xc3: {  	_ =	task.clear_ibuf [dreg:s8], $0x2FFFF;
	_ =	strace $0x9FFFFFFF  }
0xc4: {  	(tm) =	ssettm $0x7FFFFFFF  }
0xc5: {  	_ =	shalt  }
tec
execute0_lowered:
.L_overlay_start_1:
0x0: {  	(tag) =	ssettag $0x1  }
0x1: {  	s1 =	rddreg [dreg:$0x0]  }
0x2: {  	s2 =	rddreg [dreg:$0x1]  }
0x3: {  	s5 =	rddreg [dreg:$0x2]  }
0x4: {  	s4 =	srdreg.scid;
	s0 =	rddreg [dreg:$0x3];
	s3 =	simm.s32 $0x0  }
0x5: {  	s9 =	simm.s32 $0x4000;
	s10 =	simm.s32 $0x0;
	s6 =	sand.u32 $0x1, s4  }
0x6: {  	[smem:$0x7FF] =	sst s3;
	s4 =	stileid.u32;
	s7 =	ssub.s32 $0x2, s6  }
0x7: {  	s5 =	sadd.s32 $0x600, s5;
	_ =	strace $0x80000047;
	s8 =	sshrl.u32 s7, $0x1  }
0x8: {  	s31 =	sshll.u32 s4, $0xD;
	s6 =	sshll.u32 s6, $0xC;
	s7 =	ssub.s32 s7, s8  }
0x9: {  	s6 =	sor.u32 s6, s31;
	s8 =	simm.s32 $0x1;
	s7 =	smax.u32 s7, $0x1  }
.LBB2_1:
0xa: {  	p1 =	por $0x1, $0x1;
	s11 =	simm.s32 $0x0  }
.LBB2_2:
0xb: {  	s11 =	sor.u32 s6, s11  }
0xc: {  	s12 =	sor.u32 $0x3E0000, s11  }
0xd: {  	s14 =	simm.s32 $0x0;
	s13 =	sadd.s32 s1, s12  }
0xe: {  	[tilespmem:s14], [sflag:$0x1] =	stream.linear.gather [hbm4b:s13+s14], $0x4000, $0x38;
	[tilespmem:$0x8000] =	vst v63  }
0xf: {  	_ =	swait.ge [sflag:s8], $0x4000  }
0x10: {  	[sflag:s8] =	ssyncset.done $0x0  }
0x11: {  	s12 =	sadd.s32 s2, s12;
	[sflag:s8] =	ssyncadd.s32 $0xFFFFC000  }
0x12: {  	[tilespmem:s9], [sflag:$0x1] =	stream.linear.gather [hbm4b:s12+s14], $0x4000, $0x38;
	[tilespmem:$0x8000] =	vst v63  }
0x13: {  	_ =	swait.ge [sflag:s8], $0x4000  }
0x14: {  	[sflag:s8] =	ssyncset.done $0x0  }
0x15: {  	s12 =	simm.s32 $0x0;
	[sflag:s8] =	ssyncadd.s32 $0xFFFFC000  }
0x16: {  	v34 =	vld [tilespmem:s12+$0x4000]  }
0x17: {  	v35 =	vld [tilespmem:s12+$0x4080]  }
0x18: {  	v36 =	vld [tilespmem:s12+$0x4100]  }
0x19: {  	v37 =	vld [tilespmem:s12+$0x4180]  }
0x1a: {  	v38 =	vld [tilespmem:s12+$0x4200]  }
0x1b: {  	v39 =	vld [tilespmem:s12+$0x4280]  }
0x1c: {  	v40 =	vld [tilespmem:s12+$0x4300]  }
0x1d: {  	v41 =	vld [tilespmem:s12+$0x4380]  }
0x1e: {  	v42 =	vld [tilespmem:s12+$0x4010]  }
0x1f: {  	v43 =	vld [tilespmem:s12+$0x4090]  }
0x20: {  	v44 =	vld [tilespmem:s12+$0x4110]  }
0x21: {  	v45 =	vld [tilespmem:s12+$0x4190]  }
0x22: {  	v46 =	vld [tilespmem:s12+$0x4210]  }
0x23: {  	v47 =	vld [tilespmem:s12+$0x4290]  }
0x24: {  	v48 =	vld [tilespmem:s12+$0x4310]  }
0x25: {  	v49 =	vld [tilespmem:s12+$0x4390]  }
0x26: {  	v50 =	vld [tilespmem:s12+$0x4020]  }
0x27: {  	v51 =	vld [tilespmem:s12+$0x40A0]  }
0x28: {  	v52 =	vld [tilespmem:s12+$0x4120]  }
0x29: {  	v53 =	vld [tilespmem:s12+$0x41A0]  }
0x2a: {  	v54 =	vld [tilespmem:s12+$0x4220]  }
0x2b: {  	v55 =	vld [tilespmem:s12+$0x42A0]  }
0x2c: {  	v56 =	vld [tilespmem:s12+$0x4320]  }
0x2d: {  	v57 =	vld [tilespmem:s12+$0x43A0]  }
0x2e: {  	v58 =	vld [tilespmem:s12+$0x4030]  }
0x2f: {  	v59 =	vld [tilespmem:s12+$0x40B0]  }
0x30: {  	v60 =	vld [tilespmem:s12+$0x4130]  }
0x31: {  	v61 =	vld [tilespmem:s12+$0x41B0]  }
0x32: {  	v62 =	vld [tilespmem:s12+$0x4230]  }
0x33: {  	v63 =	vld [tilespmem:s12+$0x42B0]  }
0x34: {  	v33 =	vld [tilespmem:s12+$0x4330]  }
0x35: {  	v32 =	vld [tilespmem:s12+$0x43B0]  }
0x36: {  	v31 =	vld [tilespmem:s12+$0x4040]  }
0x37: {  	v30 =	vld [tilespmem:s12+$0x40C0]  }
0x38: {  	v29 =	vld [tilespmem:s12+$0x4140]  }
0x39: {  	v28 =	vld [tilespmem:s12+$0x41C0]  }
0x3a: {  	v27 =	vld [tilespmem:s12+$0x4240]  }
0x3b: {  	v26 =	vld [tilespmem:s12+$0x42C0]  }
0x3c: {  	v25 =	vld [tilespmem:s12+$0x4340]  }
0x3d: {  	v24 =	vld [tilespmem:s12+$0x43C0]  }
0x3e: {  	v23 =	vld [tilespmem:s12+$0x4050]  }
0x3f: {  	v22 =	vld [tilespmem:s12+$0x40D0]  }
0x40: {  	v21 =	vld [tilespmem:s12+$0x4150]  }
0x41: {  	v20 =	vld [tilespmem:s12+$0x41D0]  }
0x42: {  	v19 =	vld [tilespmem:s12+$0x4250]  }
0x43: {  	v18 =	vld [tilespmem:s12+$0x42D0]  }
0x44: {  	v7 =	vld [tilespmem:s12+$0x80]  }
0x45: {  	v16 =	vld [tilespmem:s12+$0x4350]  }
0x46: {  	v15 =	vld [tilespmem:s12+$0x43D0]  }
0x47: {  	v14 =	vld [tilespmem:s12+$0x4060]  }
0x48: {  	v9 =	vld [tilespmem:s12+$0x180]  }
0x49: {  	v13 =	vld [tilespmem:s12+$0x40E0];
	v7 =	vadd.f32 v35, v7  }
0x4a: {  	v0 =	vld [tilespmem:s12+$0x4160]  }
0x4b: {  	[tilespmem:s12+$0x80] =	vst v7;
	v7 =	vld [tilespmem:s12+$0x10]  }
0x4c: {  	v8 =	vld [tilespmem:s12+$0x100]  }
0x4d: {  	v10 =	vld [tilespmem:s12+$0x200];
	v9 =	vadd.f32 v37, v9  }
0x4e: {  	v12 =	vld [tilespmem:s12+$0x41E0]  }
0x4f: {  	[tilespmem:s12+$0x180] =	vst v9;
	v9 =	vld [tilespmem:s12+$0x110]  }
0x50: {  	v6 =	vld [tilespmem:s12+$0x0];
	v7 =	vadd.f32 v42, v7  }
0x51: {  	v11 =	vld [tilespmem:s12+$0x300];
	v8 =	vadd.f32 v36, v8  }
0x52: {  	v10 =	vadd.f32 v38, v10;
	[tilespmem:s12+$0x10] =	vst v7;
	v7 =	vld [tilespmem:s12+$0x390]  }
0x53: {  	[tilespmem:s12+$0x100] =	vst v8;
	v8 =	vld [tilespmem:s12+$0x90]  }
0x54: {  	[tilespmem:s12+$0x200] =	vst v10;
	v10 =	vld [tilespmem:s12+$0x190];
	v9 =	vadd.f32 v44, v9  }
0x55: {  	v1 =	vld [tilespmem:s12+$0x4260];
	v6 =	vadd.f32 v34, v6  }
0x56: {  	v11 =	vadd.f32 v40, v11;
	[tilespmem:s12+$0x110] =	vst v9;
	v9 =	vld [tilespmem:s12+$0xA0]  }
0x57: {  	[tilespmem:s12+$0x0] =	vst v6;
	v6 =	vld [tilespmem:s12+$0x380];
	v7 =	vadd.f32 v49, v7  }
0x58: {  	[tilespmem:s12+$0x300] =	vst v11;
	v11 =	vld [tilespmem:s12+$0x290];
	v8 =	vadd.f32 v43, v8  }
0x59: {  	v10 =	vadd.f32 v45, v10;
	[tilespmem:s12+$0x390] =	vst v7;
	v7 =	vld [tilespmem:s12+$0x320]  }
0x5a: {  	[tilespmem:s12+$0x90] =	vst v8;
	v8 =	vld [tilespmem:s12+$0x20]  }
0x5b: {  	[tilespmem:s12+$0x190] =	vst v10;
	v10 =	vld [tilespmem:s12+$0x120];
	v9 =	vadd.f32 v51, v9  }
0x5c: {  	v5 =	vld [tilespmem:s12+$0x4170];
	v6 =	vadd.f32 v41, v6  }
0x5d: {  	v11 =	vadd.f32 v47, v11;
	[tilespmem:s12+$0xA0] =	vst v9;
	v9 =	vld [tilespmem:s12+$0x30]  }
0x5e: {  	[tilespmem:s12+$0x380] =	vst v6;
	v6 =	vld [tilespmem:s12+$0x310];
	v7 =	vadd.f32 v56, v7  }
0x5f: {  	[tilespmem:s12+$0x290] =	vst v11;
	v11 =	vld [tilespmem:s12+$0x220];
	v8 =	vadd.f32 v50, v8  }
0x60: {  	v10 =	vadd.f32 v52, v10;
	[tilespmem:s12+$0x320] =	vst v7;
	v7 =	vld [tilespmem:s12+$0x2B0]  }
0x61: {  	[tilespmem:s12+$0x20] =	vst v8;
	v8 =	vld [tilespmem:s12+$0x3A0]  }
0x62: {  	[tilespmem:s12+$0x120] =	vst v10;
	v10 =	vld [tilespmem:s12+$0xB0];
	v9 =	vadd.f32 v58, v9  }
0x63: {  	v4 =	vld [tilespmem:s12+$0x41F0];
	v6 =	vadd.f32 v48, v6  }
0x64: {  	v11 =	vadd.f32 v54, v11;
	[tilespmem:s12+$0x30] =	vst v9;
	v9 =	vld [tilespmem:s12+$0x3B0]  }
0x65: {  	[tilespmem:s12+$0x310] =	vst v6;
	v6 =	vld [tilespmem:s12+$0x2A0];
	v7 =	vadd.f32 v63, v7  }
0x66: {  	[tilespmem:s12+$0x220] =	vst v11;
	v11 =	vld [tilespmem:s12+$0x1B0];
	v8 =	vadd.f32 v57, v8  }
0x67: {  	v10 =	vadd.f32 v59, v10;
	[tilespmem:s12+$0x2B0] =	vst v7;
	v7 =	vld [tilespmem:s12+$0x240]  }
0x68: {  	[tilespmem:s12+$0x3A0] =	vst v8;
	v8 =	vld [tilespmem:s12+$0x330]  }
0x69: {  	[tilespmem:s12+$0xB0] =	vst v10;
	v10 =	vld [tilespmem:s12+$0x40];
	v9 =	vadd.f32 v32, v9  }
0x6a: {  	v3 =	vld [tilespmem:s12+$0x4270];
	v6 =	vadd.f32 v55, v6  }
0x6b: {  	v11 =	vadd.f32 v61, v11;
	[tilespmem:s12+$0x3B0] =	vst v9;
	v9 =	vld [tilespmem:s12+$0x340]  }
0x6c: {  	[tilespmem:s12+$0x2A0] =	vst v6;
	v6 =	vld [tilespmem:s12+$0x230];
	v7 =	vadd.f32 v27, v7  }
0x6d: {  	[tilespmem:s12+$0x1B0] =	vst v11;
	v11 =	vld [tilespmem:s12+$0x140];
	v8 =	vadd.f32 v33, v8  }
0x6e: {  	v10 =	vadd.f32 v31, v10;
	[tilespmem:s12+$0x240] =	vst v7;
	v7 =	vld [tilespmem:s12+$0x1D0]  }
0x6f: {  	[tilespmem:s12+$0x330] =	vst v8;
	v8 =	vld [tilespmem:s12+$0x2C0]  }
0x70: {  	[tilespmem:s12+$0x40] =	vst v10;
	v10 =	vld [tilespmem:s12+$0x3C0];
	v9 =	vadd.f32 v25, v9  }
0x71: {  	[tilespmem:$0x1FFA0] =	vst v1;
	v1 =	vld [tilespmem:s12+$0x42E0];
	v6 =	vadd.f32 v62, v6  }
0x72: {  	v11 =	vadd.f32 v29, v11;
	[tilespmem:s12+$0x340] =	vst v9;
	v9 =	vld [tilespmem:s12+$0x2D0]  }
0x73: {  	[tilespmem:s12+$0x230] =	vst v6;
	v6 =	vld [tilespmem:s12+$0x1C0];
	v7 =	vadd.f32 v20, v7  }
0x74: {  	[tilespmem:s12+$0x140] =	vst v11;
	v11 =	vld [tilespmem:s12+$0xD0];
	v8 =	vadd.f32 v26, v8  }
0x75: {  	v10 =	vadd.f32 v24, v10;
	[tilespmem:s12+$0x1D0] =	vst v7;
	v7 =	vld [tilespmem:s12+$0x160]  }
0x76: {  	[tilespmem:s12+$0x2C0] =	vst v8;
	v8 =	vld [tilespmem:s12+$0x250]  }
0x77: {  	[tilespmem:s12+$0x3C0] =	vst v10;
	v10 =	vld [tilespmem:s12+$0x350];
	v9 =	vadd.f32 v18, v9  }
0x78: {  	[tilespmem:$0x1FFB0] =	vst v1;
	v1 =	vld [tilespmem:s12+$0x4360]  }
0x79: {  	v6 =	vadd.f32 v28, v6;
	[tilespmem:s12+$0x2D0] =	vst v9;
	v9 =	vld [tilespmem:s12+$0x260]  }
0x7a: {  	v11 =	vadd.f32 v22, v11;
	v7 =	vadd.f32 v0, v7;
	v0 =	vld [tilespmem:$0x1FFA0]  }
0x7b: {  	[tilespmem:s12+$0x1C0] =	vst v6;
	v6 =	vld [tilespmem:s12+$0x150];
	v8 =	vadd.f32 v19, v8  }
0x7c: {  	[tilespmem:s12+$0xD0] =	vst v11;
	v11 =	vld [tilespmem:s12+$0x60];
	v10 =	vadd.f32 v16, v10  }
0x7d: {  	[tilespmem:s12+$0x250] =	vst v8;
	v8 =	vld [tilespmem:s12+$0x1E0]  }
0x7e: {  	[tilespmem:s12+$0x350] =	vst v10;
	v10 =	vld [tilespmem:s12+$0x2E0]  }
0x7f: {  	v9 =	vadd.f32 v0, v9;
	v0 =	vld [tilespmem:$0x1FFB0]  }
0x80: {  	v34 =	vld [tilespmem:s12+$0x280]  }
0x81: {  	[tilespmem:$0x1FFC0] =	vst v1;
	v1 =	vld [tilespmem:s12+$0x43E0];
	v6 =	vadd.f32 v21, v6  }
0x82: {  	v11 =	vadd.f32 v14, v11;
	v14 =	vld [tilespmem:s12+$0x360];
	v8 =	vadd.f32 v12, v8  }
0x83: {  	[tilespmem:s12+$0x150] =	vst v6;
	v6 =	vld [tilespmem:s12+$0xE0]  }
0x84: {  	[tilespmem:s12+$0x1E0] =	vst v8;
	v8 =	vadd.f32 v0, v10;
	v0 =	vld [tilespmem:$0x1FFC0]  }
0x85: {  	v40 =	vld [tilespmem:s12+$0x210]  }
0x86: {  	v47 =	vld [tilespmem:s12+$0x1A0]  }
0x87: {  	[tilespmem:$0x1FFD0] =	vst v1;
	v1 =	vld [tilespmem:s12+$0x4070]  }
0x88: {  	v34 =	vadd.f32 v39, v34;
	v6 =	vadd.f32 v13, v6;
	v13 =	vld [tilespmem:s12+$0x3E0]  }
0x89: {  	v12 =	vadd.f32 v0, v14;
	v0 =	vld [tilespmem:$0x1FFD0]  }
0x8a: {  	[tilespmem:s12+$0x280] =	vst v34;
	v34 =	vadd.f32 v46, v40;
	v54 =	vld [tilespmem:s12+$0x130]  }
0x8b: {  	v2 =	vld [tilespmem:s12+$0x42F0]  }
0x8c: {  	[tilespmem:s12+$0x210] =	vst v34;
	v34 =	vadd.f32 v53, v47;
	v61 =	vld [tilespmem:s12+$0xC0]  }
0x8d: {  	[tilespmem:$0x1FFE0] =	vst v1;
	v1 =	vld [tilespmem:s12+$0x40F0]  }
0x8e: {  	v17 =	vld [tilespmem:s12+$0x43F0];
	[tilespmem:s12+$0x1A0] =	vst v34;
	v0 =	vadd.f32 v0, v13  }
0x8f: {  	v34 =	vadd.f32 v60, v54;
	[tilespmem:s12+$0xE0] =	vst v6;
	v6 =	vld [tilespmem:s12+$0x70]  }
0x90: {  	[tilespmem:s12+$0x3E0] =	vst v0;
	v0 =	vld [tilespmem:$0x1FFE0]  }
0x91: {  	[tilespmem:s12+$0x130] =	vst v34;
	v30 =	vadd.f32 v30, v61;
	v62 =	vld [tilespmem:s12+$0x50]  }
0x92: {  	[tilespmem:$0x1FFF0] =	vst v1;
	v1 =	vld [tilespmem:s12+$0x4370]  }
0x93: {  	[tilespmem:s12+$0xC0] =	vst v30;
	v63 =	vld [tilespmem:s12+$0x3D0]  }
0x94: {  	[tilespmem:s12+$0x160] =	vst v7;
	v7 =	vld [tilespmem:s12+$0xF0]  }
0x95: {  	[tilespmem:s12+$0x360] =	vst v12;
	v12 =	vadd.f32 v0, v6;
	v0 =	vld [tilespmem:$0x1FFF0]  }
0x96: {  	v23 =	vadd.f32 v23, v62;
	[tilespmem:s12+$0x60] =	vst v11;
	v11 =	vld [tilespmem:s12+$0x170]  }
0x97: {  	[tilespmem:s12+$0x260] =	vst v9;
	v9 =	vld [tilespmem:s12+$0x270]  }
0x98: {  	v15 =	vadd.f32 v15, v63;
	[tilespmem:s12+$0x50] =	vst v23;
	v10 =	vld [tilespmem:s12+$0x1F0]  }
0x99: {  	[tilespmem:s12+$0x2E0] =	vst v8;
	v8 =	vld [tilespmem:s12+$0x2F0]  }
0x9a: {  	p0 =	por p1, p1;
	s13 =	simm.s32 $0x1000;
	[tilespmem:s12+$0x3D0] =	vst v15;
	v6 =	vld [tilespmem:s12+$0x370];
	v7 =	vadd.f32 v0, v7  }
.LBB2_3:
0x9b: {  	_ = 	snop  }
0x9c: {  	s14 =	sshra.s32 s13, $0x2;
	[tilespmem:s12+$0x70] =	vst v12;
	v5 =	vadd.f32 v5, v11;
	v11 =	vld [tilespmem:s12+$0x3F0]  }
0x9d: {  	v56 =	vld [tilespmem:s14+$0x4000];
	[tilespmem:s12+$0xF0] =	vst v7;
	v4 =	vadd.f32 v4, v10  }
0x9e: {  	v59 =	vld [tilespmem:s14+$0x4080];
	v3 =	vadd.f32 v3, v9;
	[tilespmem:s12+$0x170] =	vst v5  }
0x9f: {  	v2 =	vadd.f32 v2, v8;
	v60 =	vld [tilespmem:s14+$0x4100];
	[tilespmem:s12+$0x1F0] =	vst v4  }
0xa0: {  	v1 =	vadd.f32 v1, v6;
	v61 =	vld [tilespmem:s14+$0x4180];
	[tilespmem:s12+$0x270] =	vst v3  }
0xa1: {  	v62 =	vld [tilespmem:s14+$0x4200];
	[tilespmem:s12+$0x2F0] =	vst v2;
	v0 =	vadd.f32 v17, v11  }
0xa2: {  	v63 =	vld [tilespmem:s14+$0x4280];
	[tilespmem:s12+$0x370] =	vst v1  }
0xa3: {  	v57 =	vld [tilespmem:s14+$0x4300];
	[tilespmem:s12+$0x3F0] =	vst v0;
	s12 =	smov.u32 s14  }
0xa4: {  	v58 =	vld [tilespmem:s12+$0x4380]  }
0xa5: {  	v55 =	vld [tilespmem:s12+$0x4010]  }
0xa6: {  	v54 =	vld [tilespmem:s12+$0x4090]  }
0xa7: {  	v53 =	vld [tilespmem:s12+$0x4110]  }
0xa8: {  	v52 =	vld [tilespmem:s12+$0x4190]  }
0xa9: {  	v51 =	vld [tilespmem:s12+$0x4210]  }
0xaa: {  	v50 =	vld [tilespmem:s12+$0x4290]  }
0xab: {  	v49 =	vld [tilespmem:s12+$0x4310]  }
0xac: {  	v48 =	vld [tilespmem:s12+$0x4390]  }
0xad: {  	v47 =	vld [tilespmem:s12+$0x4020]  }
0xae: {  	v46 =	vld [tilespmem:s12+$0x40A0]  }
0xaf: {  	v45 =	vld [tilespmem:s12+$0x4120]  }
0xb0: {  	v44 =	vld [tilespmem:s12+$0x41A0]  }
0xb1: {  	v43 =	vld [tilespmem:s12+$0x4220]  }
0xb2: {  	v42 =	vld [tilespmem:s12+$0x42A0]  }
0xb3: {  	v41 =	vld [tilespmem:s12+$0x4320]  }
0xb4: {  	v40 =	vld [tilespmem:s12+$0x43A0]  }
0xb5: {  	v39 =	vld [tilespmem:s12+$0x4030]  }
0xb6: {  	v38 =	vld [tilespmem:s12+$0x40B0]  }
0xb7: {  	v37 =	vld [tilespmem:s12+$0x4130]  }
0xb8: {  	v36 =	vld [tilespmem:s12+$0x41B0]  }
0xb9: {  	v35 =	vld [tilespmem:s12+$0x4230]  }
0xba: {  	v34 =	vld [tilespmem:s12+$0x42B0]  }
0xbb: {  	v0 =	vld [tilespmem:s12+$0x42E0]  }
0xbc: {  	v33 =	vld [tilespmem:s12+$0x4330]  }
0xbd: {  	v32 =	vld [tilespmem:s12+$0x43B0]  }
0xbe: {  	v31 =	vld [tilespmem:s12+$0x4040]  }
0xbf: {  	v30 =	vld [tilespmem:s12+$0x40C0]  }
0xc0: {  	[tilespmem:$0x1FF50] =	vst v0;
	v0 =	vld [tilespmem:s12+$0x4360]  }
0xc1: {  	v29 =	vld [tilespmem:s12+$0x4140]  }
0xc2: {  	v28 =	vld [tilespmem:s12+$0x41C0]  }
0xc3: {  	v27 =	vld [tilespmem:s12+$0x4240]  }
0xc4: {  	v26 =	vld [tilespmem:s12+$0x42C0]  }
0xc5: {  	[tilespmem:$0x1FF60] =	vst v0;
	v0 =	vld [tilespmem:s12+$0x43E0]  }
0xc6: {  	v25 =	vld [tilespmem:s12+$0x4340]  }
0xc7: {  	v24 =	vld [tilespmem:s12+$0x43C0]  }
0xc8: {  	v23 =	vld [tilespmem:s12+$0x4050]  }
0xc9: {  	v22 =	vld [tilespmem:s12+$0x40D0]  }
0xca: {  	[tilespmem:$0x1FF70] =	vst v0;
	v0 =	vld [tilespmem:s12+$0x4070]  }
0xcb: {  	v21 =	vld [tilespmem:s12+$0x4150]  }
0xcc: {  	v20 =	vld [tilespmem:s12+$0x41D0]  }
0xcd: {  	v19 =	vld [tilespmem:s12+$0x4250]  }
0xce: {  	v18 =	vld [tilespmem:s12+$0x42D0]  }
0xcf: {  	[tilespmem:$0x1FF80] =	vst v0;
	v0 =	vld [tilespmem:s12+$0x40F0]  }
0xd0: {  	v6 =	vld [tilespmem:s12+$0x4350]  }
0xd1: {  	v7 =	vld [tilespmem:s12+$0x43D0]  }
0xd2: {  	v8 =	vld [tilespmem:s12+$0x4060]  }
0xd3: {  	v9 =	vld [tilespmem:s12+$0x40E0]  }
0xd4: {  	[tilespmem:$0x1FF90] =	vst v0;
	v0 =	vld [tilespmem:s12+$0x0]  }
0xd5: {  	v13 =	vld [tilespmem:s12+$0x80]  }
0xd6: {  	v14 =	vld [tilespmem:s12+$0x100]  }
0xd7: {  	v15 =	vld [tilespmem:s12+$0x180]  }
0xd8: {  	v16 =	vld [tilespmem:s12+$0x200]  }
0xd9: {  	v0 =	vadd.f32 v56, v0;
	v56 =	vld [tilespmem:s12+$0x280]  }
0xda: {  	v13 =	vadd.f32 v59, v13;
	v59 =	vld [tilespmem:s12+$0x300]  }
0xdb: {  	[tilespmem:s12+$0x0] =	vst v0;
	v0 =	vadd.f32 v60, v14;
	v14 =	vld [tilespmem:s12+$0x380]  }
0xdc: {  	[tilespmem:s12+$0x80] =	vst v13;
	v13 =	vadd.f32 v61, v15;
	v15 =	vld [tilespmem:s12+$0x10]  }
0xdd: {  	[tilespmem:s12+$0x100] =	vst v0;
	v0 =	vadd.f32 v62, v16;
	v16 =	vld [tilespmem:s12+$0x90]  }
0xde: {  	[tilespmem:s12+$0x180] =	vst v13;
	v13 =	vadd.f32 v63, v56;
	v63 =	vld [tilespmem:s12+$0x110]  }
0xdf: {  	v60 =	vld [tilespmem:s12+$0x190];
	[tilespmem:s12+$0x200] =	vst v0;
	v0 =	vadd.f32 v57, v59  }
0xe0: {  	[tilespmem:s12+$0x280] =	vst v13;
	v13 =	vadd.f32 v58, v14;
	v14 =	vld [tilespmem:s12+$0x210]  }
0xe1: {  	[tilespmem:s12+$0x300] =	vst v0;
	v0 =	vadd.f32 v55, v15;
	v15 =	vld [tilespmem:s12+$0x290]  }
0xe2: {  	[tilespmem:s12+$0x380] =	vst v13;
	v13 =	vadd.f32 v54, v16;
	v16 =	vld [tilespmem:s12+$0x310]  }
0xe3: {  	v61 =	vld [tilespmem:s12+$0x390];
	[tilespmem:s12+$0x10] =	vst v0;
	v0 =	vadd.f32 v53, v63  }
0xe4: {  	v62 =	vld [tilespmem:s12+$0x20];
	[tilespmem:s12+$0x90] =	vst v13;
	v13 =	vadd.f32 v52, v60  }
0xe5: {  	[tilespmem:s12+$0x110] =	vst v0;
	v0 =	vadd.f32 v51, v14;
	v14 =	vld [tilespmem:s12+$0xA0]  }
0xe6: {  	[tilespmem:s12+$0x190] =	vst v13;
	v13 =	vadd.f32 v50, v15;
	v15 =	vld [tilespmem:s12+$0x120]  }
0xe7: {  	[tilespmem:s12+$0x210] =	vst v0;
	v0 =	vadd.f32 v49, v16;
	v16 =	vld [tilespmem:s12+$0x1A0]  }
0xe8: {  	v63 =	vld [tilespmem:s12+$0x220];
	[tilespmem:s12+$0x290] =	vst v13;
	v13 =	vadd.f32 v48, v61  }
0xe9: {  	v53 =	vld [tilespmem:s12+$0x2A0];
	[tilespmem:s12+$0x310] =	vst v0;
	v0 =	vadd.f32 v47, v62  }
0xea: {  	[tilespmem:s12+$0x390] =	vst v13;
	v13 =	vadd.f32 v46, v14;
	v14 =	vld [tilespmem:s12+$0x320]  }
0xeb: {  	[tilespmem:s12+$0x20] =	vst v0;
	v0 =	vadd.f32 v45, v15;
	v15 =	vld [tilespmem:s12+$0x3A0]  }
0xec: {  	[tilespmem:s12+$0xA0] =	vst v13;
	v13 =	vadd.f32 v44, v16;
	v16 =	vld [tilespmem:s12+$0x30]  }
0xed: {  	v54 =	vld [tilespmem:s12+$0xB0];
	[tilespmem:s12+$0x120] =	vst v0;
	v0 =	vadd.f32 v43, v63  }
0xee: {  	v55 =	vld [tilespmem:s12+$0x130];
	[tilespmem:s12+$0x1A0] =	vst v13;
	v13 =	vadd.f32 v42, v53  }
0xef: {  	[tilespmem:s12+$0x220] =	vst v0;
	v0 =	vadd.f32 v41, v14;
	v14 =	vld [tilespmem:s12+$0x1B0]  }
0xf0: {  	[tilespmem:s12+$0x2A0] =	vst v13;
	v13 =	vadd.f32 v40, v15;
	v15 =	vld [tilespmem:s12+$0x230]  }
0xf1: {  	[tilespmem:s12+$0x320] =	vst v0;
	v0 =	vadd.f32 v39, v16;
	v16 =	vld [tilespmem:s12+$0x2B0]  }
0xf2: {  	v56 =	vld [tilespmem:s12+$0x330];
	[tilespmem:s12+$0x3A0] =	vst v13;
	v13 =	vadd.f32 v38, v54  }
0xf3: {  	v57 =	vld [tilespmem:s12+$0x3B0];
	[tilespmem:s12+$0x30] =	vst v0;
	v0 =	vadd.f32 v37, v55  }
0xf4: {  	[tilespmem:s12+$0xB0] =	vst v13;
	v13 =	vadd.f32 v36, v14;
	v14 =	vld [tilespmem:s12+$0x40]  }
0xf5: {  	[tilespmem:s12+$0x130] =	vst v0;
	v0 =	vadd.f32 v35, v15;
	v15 =	vld [tilespmem:s12+$0xC0]  }
0xf6: {  	[tilespmem:s12+$0x1B0] =	vst v13;
	v13 =	vadd.f32 v34, v16;
	v16 =	vld [tilespmem:s12+$0x140]  }
0xf7: {  	v58 =	vld [tilespmem:s12+$0x1C0];
	[tilespmem:s12+$0x230] =	vst v0;
	v0 =	vadd.f32 v33, v56  }
0xf8: {  	v59 =	vld [tilespmem:s12+$0x240];
	[tilespmem:s12+$0x2B0] =	vst v13;
	v13 =	vadd.f32 v32, v57  }
0xf9: {  	[tilespmem:s12+$0x330] =	vst v0;
	v0 =	vadd.f32 v31, v14;
	v14 =	vld [tilespmem:s12+$0x2C0]  }
0xfa: {  	[tilespmem:s12+$0x3B0] =	vst v13;
	v13 =	vadd.f32 v30, v15;
	v15 =	vld [tilespmem:s12+$0x340]  }
0xfb: {  	[tilespmem:s12+$0x40] =	vst v0;
	v0 =	vadd.f32 v29, v16;
	v16 =	vld [tilespmem:s12+$0x3C0]  }
0xfc: {  	v60 =	vld [tilespmem:s12+$0x50];
	[tilespmem:s12+$0xC0] =	vst v13;
	v13 =	vadd.f32 v28, v58  }
0xfd: {  	v61 =	vld [tilespmem:s12+$0xD0];
	[tilespmem:s12+$0x140] =	vst v0;
	v0 =	vadd.f32 v27, v59  }
0xfe: {  	[tilespmem:s12+$0x1C0] =	vst v13;
	v13 =	vadd.f32 v26, v14;
	v14 =	vld [tilespmem:s12+$0x150]  }
0xff: {  	[tilespmem:s12+$0x240] =	vst v0;
	v0 =	vadd.f32 v25, v15;
	v15 =	vld [tilespmem:s12+$0x1D0]  }
0x100: {  	[tilespmem:s12+$0x2C0] =	vst v13;
	v13 =	vadd.f32 v24, v16;
	v16 =	vld [tilespmem:s12+$0x250]  }
0x101: {  	v62 =	vld [tilespmem:s12+$0x2D0];
	[tilespmem:s12+$0x340] =	vst v0;
	v0 =	vadd.f32 v23, v60  }
0x102: {  	v63 =	vld [tilespmem:s12+$0x350];
	[tilespmem:s12+$0x3C0] =	vst v13;
	v13 =	vadd.f32 v22, v61  }
0x103: {  	v10 =	vld [tilespmem:s12+$0x4160];
	[tilespmem:s12+$0x50] =	vst v0;
	v0 =	vadd.f32 v21, v14  }
0x104: {  	[tilespmem:s12+$0xD0] =	vst v13;
	v13 =	vadd.f32 v20, v15;
	v15 =	vld [tilespmem:s12+$0x60]  }
0x105: {  	v11 =	vld [tilespmem:s12+$0x4260];
	[tilespmem:s12+$0x150] =	vst v0;
	v0 =	vadd.f32 v19, v16  }
0x106: {  	[tilespmem:s12+$0x1D0] =	vst v13;
	v13 =	vadd.f32 v18, v62;
	v18 =	vld [tilespmem:s12+$0x160]  }
0x107: {  	v14 =	vld [tilespmem:s12+$0x3D0];
	[tilespmem:s12+$0x250] =	vst v0;
	v0 =	vadd.f32 v6, v63  }
0x108: {  	[tilespmem:s12+$0x2D0] =	vst v13;
	v13 =	vld [tilespmem:s12+$0x260]  }
0x109: {  	v16 =	vld [tilespmem:s12+$0xE0];
	[tilespmem:s12+$0x350] =	vst v0;
	v0 =	vadd.f32 v8, v15  }
0x10a: {  	v12 =	vld [tilespmem:s12+$0x41E0]  }
0x10b: {  	v6 =	vld [tilespmem:s12+$0x1E0];
	[tilespmem:s12+$0x60] =	vst v0;
	v0 =	vadd.f32 v10, v18  }
0x10c: {  	v5 =	vld [tilespmem:s12+$0x4170];
	v7 =	vadd.f32 v7, v14  }
0x10d: {  	v4 =	vld [tilespmem:s12+$0x41F0];
	[tilespmem:s12+$0x160] =	vst v0;
	v0 =	vadd.f32 v11, v13  }
0x10e: {  	[tilespmem:s12+$0x3D0] =	vst v7;
	v7 =	vadd.f32 v9, v16;
	v9 =	vld [tilespmem:s12+$0x360]  }
0x10f: {  	[tilespmem:s12+$0x260] =	vst v0;
	v0 =	vld [tilespmem:$0x1FF60]  }
0x110: {  	v3 =	vld [tilespmem:s12+$0x4270];
	v6 =	vadd.f32 v12, v6  }
0x111: {  	v8 =	vld [tilespmem:s12+$0x2E0]  }
0x112: {  	[tilespmem:s12+$0x1E0] =	vst v6;
	v6 =	vld [tilespmem:$0x1FF50]  }
0x113: {  	v2 =	vld [tilespmem:s12+$0x42F0]  }
0x114: {  	v1 =	vld [tilespmem:s12+$0x4370];
	v0 =	vadd.f32 v0, v9  }
0x115: {  	[tilespmem:s12+$0xE0] =	vst v7;
	v7 =	vld [tilespmem:s12+$0x70]  }
0x116: {  	[tilespmem:s12+$0x360] =	vst v0;
	v0 =	vld [tilespmem:$0x1FF80]  }
0x117: {  	v17 =	vld [tilespmem:s12+$0x43F0];
	v6 =	vadd.f32 v6, v8  }
0x118: {  	v14 =	vld [tilespmem:s12+$0x3E0]  }
0x119: {  	[tilespmem:s12+$0x2E0] =	vst v6;
	v6 =	vld [tilespmem:$0x1FF70]  }
0x11a: {  	v13 =	vld [tilespmem:s12+$0xF0]  }
0x11b: {  	p1 =	sne.s32 s13, $0xF000;
	v12 =	vadd.f32 v0, v7;
	v0 =	vld [tilespmem:$0x1FF90]  }
.Ltmp0:
0x11c: {  	v10 =	vld [tilespmem:s12+$0x1F0];
	(pc) =	sbr.rel @p1 .LBB2_3-.Ltmp0, $4  }
0x11d: {  	v11 =	vld [tilespmem:s12+$0x170]  }
0x11e: {  	v8 =	vld [tilespmem:s12+$0x2F0];
	v6 =	vadd.f32 v6, v14  }
0x11f: {  	v9 =	vld [tilespmem:s12+$0x270]  }
0x120: {  	s13 =	sadd.s32 $0x1000, s13;
	[tilespmem:s12+$0x3E0] =	vst v6;
	v6 =	vld [tilespmem:s12+$0x370];
	v7 =	vadd.f32 v0, v13  }
0x121: {  	[tilespmem:s12+$0x70] =	vst v12;
	v60 =	vld [tilespmem:s12+$0x3F0];
	v4 =	vadd.f32 v4, v10  }
0x122: {  	v0 =	vadd.f32 v5, v11;
	[tilespmem:s12+$0xF0] =	vst v7  }
0x123: {  	[tilespmem:s12+$0x1F0] =	vst v4;
	v2 =	vadd.f32 v2, v8  }
0x124: {  	[tilespmem:s12+$0x170] =	vst v0;
	v61 =	vadd.f32 v3, v9  }
0x125: {  	v62 =	vadd.f32 v1, v6;
	[tilespmem:s12+$0x2F0] =	vst v2  }
0x126: {  	[tilespmem:s12+$0x270] =	vst v61;
	v63 =	vadd.f32 v17, v60  }
0x127: {  	[tilespmem:s12+$0x370] =	vst v62  }
.Ltmp1:
0x128: {  	s11 =	sadd.s32 s5, s11;
	[tilespmem:s12+$0x3F0] =	vst v63;
	(pc) =	sbr.rel @p0 .LBB2_2-.Ltmp1, $4  }
0x129: {  	[hbm4b:s11+s3] =	stream.linear.scatter [tilespmem:s3], [sflag:$0x1], $0x4000, $0x38;
	[tilespmem:$0x8000] =	vst v63  }
0x12a: {  	_ =	swait.ge [sflag:s8], $0x4000  }
0x12b: {  	[sflag:s8] =	ssyncset.done $0x0  }
0x12c: {  	p1 =	por $0x0, $0x0;
	s11 =	simm.s32 $0x800;
	[sflag:s8] =	ssyncadd.s32 $0xFFFFC000  }
0x12d: {  	s10 =	sadd.s32 $0x1, s10  }
0x12e: {  	p0 =	sne.s32 s10, s7  }
.Ltmp2:
0x12f: {  	_ = 	snop;
	(pc) =	sbr.rel @p0 .LBB2_1-.Ltmp2, $1  }
0x130: {  	_ =	sdelay $0x3  }
0x131: {  	_ =	sfence.sel $0x180000  }
0x132: {  	[bflag:$0x0] =	sbarrier.arrive $0xFFFF  }
0x133: {  	p0 =	sne.s32 s4, $0x0;
	_ =	strace $0x90000047  }
0x134: {  	s0 =	sadd.s32 @!p0 $0x100000, s0;
	[bflag:$0x2] =	sbarrier.arrive $0xFFFF  }
0x135: {  	[sflag:s0] =	ssyncadd.tile.s32 @!p0 $0x1;
	_ =	shalt  }
.Lfunc_end2:
_tile_overlayer_lowered:
.L_overlay_start_2:
0x136: {  	(tag) =	ssettag $0x2  }
0x137: {  	s0 =	rddreg [dreg:$0x0];
	s2 =	stileid.u32  }
0x138: {  	s1 =	rddreg [dreg:$0x1];
	p0 =	sne.s32 s2, $0x0  }
0x139: {  	s3 =	rddreg [dreg:$0x2];
	[bflag:$0x3] =	sbarrier.arrive $0xFFFF;
	s2 =	simm.s32 @!p0 $0x1C01  }
0x13a: {  	[timem:s3], [sflag:s2] =	dma.local @!p0 [hbm:s0], s1  }
0x13b: {  	s0 =	simm.s32 @!p0 $0x1  }
0x13c: {  	_ =	swait.ge @!p0 [sflag:s0], s1  }
0x13d: {  	s1 =	ssub.s32 @!p0 $0x0, s1;
	[sflag:s0] =	ssyncset.done @!p0 $0x0  }
0x13e: {  	[sflag:s0] =	ssyncadd.s32 @!p0 s1  }
0x13f: {  	[bflag:$0x3] =	sbarrier.arrive $0xFFFF  }
0x140: {  	_ =	shalt  }

</sc_bundles>
